<compile_context>
chip_gen: v7x
topology: tpu7x:2x2x1
jax: 0.10.2.dev20260603
libtpu: 0.0.44.dev20260713+nightly
codegen_flags: <defaults>
</compile_context>

<pallas_src>
import dataclasses
import functools

import jax
import jax.numpy as jnp
from jax import lax
from jax.experimental import pallas as pl
from jax.experimental.pallas import tpu as pltpu
from jax.experimental.pallas import tpu_sc as plsc

VOCAB = 1000000
DIM = 64
BATCH = 16384
NEG = 5
NSCORE = NEG + 1
NSTREAM = NEG + 2

NC = 2
NS = 16
LANES = 16
NW = NC * NS
BPW = BATCH // NW
CHUNK = 64
T = BPW // CHUNK


def _sc_scores(pos_u, pos_v, neg_t, u_w, v_w):
    mesh = plsc.VectorSubcoreMesh(core_axis_name="c", subcore_axis_name="s")
    cp = pltpu.CompilerParams()
    if "needs_layout_passes" in getattr(pltpu.CompilerParams, "__dataclass_fields__", {}):
        cp = dataclasses.replace(cp, needs_layout_passes=False)

    @functools.partial(
        pl.kernel,
        mesh=mesh,
        out_type=jax.ShapeDtypeStruct((NW * T * NSCORE * CHUNK,), jnp.float32),
        scratch_types=[
            pltpu.SMEM((NSTREAM * CHUNK,), jnp.int32),
            pltpu.VMEM((NSTREAM * CHUNK,), jnp.int32),
            pltpu.VMEM_SHARED((NS, NSTREAM * CHUNK), jnp.int32),
            pltpu.VMEM((CHUNK, DIM), jnp.float32),
            pltpu.VMEM((CHUNK, DIM), jnp.float32),
            pltpu.VMEM((NEG, CHUNK, DIM), jnp.float32),
            pltpu.VMEM((NSCORE * CHUNK,), jnp.float32),
            pltpu.SemaphoreType.DMA,
            pltpu.SemaphoreType.DMA,
            pltpu.SemaphoreType.DMA,
            pltpu.SemaphoreType.DMA,
            pltpu.SemaphoreType.DMA,
            pltpu.SemaphoreType.DMA,
            pltpu.SemaphoreType.DMA,
        ],
        compiler_params=cp,
    )
    def scores_kernel(pos_u_hbm, pos_v_hbm, neg_hbm, u_w_hbm, v_w_hbm, out_hbm,
                      idx_s, idx_v, idx_sp, u_rows, v_rows, n_rows, s_buf,
                      sem_u, sem_v, sem_n0, sem_n1, sem_n2, sem_n3, sem_n4):
        sem_n = [sem_n0, sem_n1, sem_n2, sem_n3, sem_n4]
        sid = lax.axis_index("s")
        wid = sid * NC + lax.axis_index("c")

        @pl.loop(0, T)
        def _chunk(t):
            off = wid * BPW + t * CHUNK
            pltpu.sync_copy(pos_u_hbm.at[pl.ds(off, CHUNK)],
                            idx_v.at[pl.ds(0, CHUNK)])
            pltpu.sync_copy(pos_v_hbm.at[pl.ds(off, CHUNK)],
                            idx_v.at[pl.ds(CHUNK, CHUNK)])
            for k in range(NEG):
                pltpu.sync_copy(neg_hbm.at[pl.ds(k * BATCH + off, CHUNK)],
                                idx_v.at[pl.ds((2 + k) * CHUNK, CHUNK)])
            pltpu.sync_copy(idx_v, idx_sp.at[sid])
            pltpu.sync_copy(idx_sp.at[sid], idx_s)

            @pl.loop(0, CHUNK)
            def _row(i):
                r_u = idx_s[i]
                pltpu.async_copy(u_w_hbm.at[pl.ds(r_u, 1), :],
                                 u_rows.at[pl.ds(i, 1), :], sem_u)
                r_v = idx_s[CHUNK + i]
                pltpu.async_copy(v_w_hbm.at[pl.ds(r_v, 1), :],
                                 v_rows.at[pl.ds(i, 1), :], sem_v)
                for k in range(NEG):
                    r_n = idx_s[(2 + k) * CHUNK + i]
                    pltpu.async_copy(v_w_hbm.at[pl.ds(r_n, 1), :],
                                     n_rows.at[k, pl.ds(i, 1), :], sem_n[k])

            pltpu.make_async_copy(u_w_hbm.at[pl.ds(0, CHUNK), :], u_rows, sem_u).wait()
            pltpu.make_async_copy(v_w_hbm.at[pl.ds(0, CHUNK), :], v_rows, sem_v).wait()
            for k in range(NEG):
                pltpu.make_async_copy(v_w_hbm.at[pl.ds(0, CHUNK), :],
                                      n_rows.at[k], sem_n[k]).wait()

            base_iota = lax.iota(jnp.int32, LANES)
            for g in range(CHUNK // LANES):
                row = base_iota + (g * LANES)

                def dbody(dd, accs, row=row):
                    col = jnp.full((LANES,), dd, jnp.int32)
                    u_col = plsc.load_gather(u_rows, [row, col])
                    v_col = plsc.load_gather(v_rows, [row, col])
                    new = [accs[0] + u_col * v_col]
                    for k in range(NEG):
                        kk = jnp.full((LANES,), k, jnp.int32)
                        n_col = plsc.load_gather(n_rows, [kk, row, col])
                        new.append(accs[1 + k] + u_col * n_col)
                    return tuple(new)

                accs = tuple(jnp.zeros((LANES,), jnp.float32) for _ in range(NSCORE))
                accs = lax.fori_loop(0, DIM, dbody, accs)
                s_buf[pl.ds(g * LANES, LANES)] = accs[0]
                for k in range(NEG):
                    s_buf[pl.ds((1 + k) * CHUNK + g * LANES, LANES)] = -accs[1 + k]

            pltpu.sync_copy(
                s_buf,
                out_hbm.at[pl.ds((wid * T + t) * NSCORE * CHUNK, NSCORE * CHUNK)])

    return scores_kernel(pos_u, pos_v, neg_t, u_w, v_w)


def _tc_loss(scores2d):
    def body(x_ref, o_ref):
        s = x_ref[...]
        y = jnp.minimum(s, 0.0) - jnp.log1p(jnp.exp(-jnp.abs(s)))
        o_ref[0, 0] = -jnp.sum(y)

    return pl.pallas_call(
        body,
        out_shape=jax.ShapeDtypeStruct((1, 1), jnp.float32),
        out_specs=pl.BlockSpec(memory_space=pltpu.SMEM),
    )(scores2d)


def kernel(pos_u, pos_v, neg_v, u_weight, v_weight):
    pos_u = pos_u.astype(jnp.int32)
    pos_v = pos_v.astype(jnp.int32)
    neg_t = neg_v.astype(jnp.int32).T.reshape(-1)
    scores = _sc_scores(pos_u, pos_v, neg_t, u_weight, v_weight)
    loss = _tc_loss(scores.reshape(NW * T * NSCORE * CHUNK // 128, 128))
    return loss[0, 0]

# --- scband reference (transcript-rebuilt; emitter-appended) ---
"""Pipeline reference for scband-skip-gram-model-21706764714534 (READ-ONLY COPY).

The authoritative reference and input builder live on the scoring server;
editing this copy changes nothing except your own understanding.
"""

import jax, jax.numpy as jnp
import numpy as np

VOCAB = 1000000
DIM = 64
BATCH = 16384
NEG = 5

def setup_inputs(seed: int = 0) -> dict:
    key = jax.random.key(seed)
    k1, k2, k3, k4, k5 = jax.random.split(key, 5)
    pos_u = jax.random.randint(k1, (BATCH,), 0, VOCAB, dtype=jnp.int64) if jax.config.jax_enable_x64 else jax.random.randint(k1, (BATCH,), 0, VOCAB).astype(jnp.int32)
    pos_v = jax.random.randint(k2, (BATCH,), 0, VOCAB).astype(pos_u.dtype)
    neg_v = jax.random.randint(k3, (BATCH, NEG), 0, VOCAB).astype(pos_u.dtype)
    initrange = 0.5 / DIM
    u_weight = jax.random.uniform(k4, (VOCAB, DIM), dtype=jnp.float32, minval=-initrange, maxval=initrange)
    # torch init sets v_embeddings to zeros; use small random values so backward/compute is nontrivial
    v_weight = jax.random.uniform(k5, (VOCAB, DIM), dtype=jnp.float32, minval=-initrange, maxval=initrange)
    return {"pos_u": pos_u, "pos_v": pos_v, "neg_v": neg_v, "u_weight": u_weight, "v_weight": v_weight}

def reference(pos_u, pos_v, neg_v, u_weight, v_weight):
    emb_u = jnp.take(u_weight, pos_u, axis=0)          # [B, D]
    emb_v = jnp.take(v_weight, pos_v, axis=0)          # [B, D]
    emb_neg = jnp.take(v_weight, neg_v, axis=0)        # [B, K, D]
    pos_score = jnp.sum(emb_u * emb_v, axis=1)         # [B]
    pos_score = jax.nn.log_sigmoid(pos_score)
    # bmm(emb_neg [B,K,D], emb_u [B,D,1]) -> [B,K]
    neg_score = jnp.einsum('bkd,bd->bk', emb_neg, emb_u)
    neg_score = jax.nn.log_sigmoid(-neg_score)
    return -1.0 * (jnp.sum(pos_score) + jnp.sum(neg_score))

if __name__ == "__main__":
    import jax
    _d = setup_inputs()
    print(jax.jit(kernel)(*tuple(_d.values())))

</pallas_src>

<mosaic_0001>
#map = affine_map<(d0, d1) -> (0)>
#map1 = affine_map<(d0, d1) -> (0, 0)>
module attributes {stable_mosaic.version = 14 : i64} {
  func.func @scores_kernel(%arg0: i32, %arg1: i32, %arg2: memref<16384xi32, #tpu.memory_space<hbm>>, %arg3: memref<16384xi32, #tpu.memory_space<hbm>>, %arg4: memref<81920xi32, #tpu.memory_space<hbm>>, %arg5: memref<1000000x64xf32, #tpu.memory_space<hbm>>, %arg6: memref<1000000x64xf32, #tpu.memory_space<hbm>>, %arg7: memref<98304xf32, #tpu.memory_space<hbm>>, %arg8: memref<448xi32, #tpu.memory_space<smem>>, %arg9: memref<448xi32, #tpu.memory_space<vmem>>, %arg10: memref<16x448xi32, #tpu.memory_space<vmem_shared>>, %arg11: memref<64x64xf32, #tpu.memory_space<vmem>>, %arg12: memref<64x64xf32, #tpu.memory_space<vmem>>, %arg13: memref<5x64x64xf32, #tpu.memory_space<vmem>>, %arg14: memref<384xf32, #tpu.memory_space<vmem>>, %arg15: memref<!tpu.dma_semaphore, #tpu.memory_space<semaphore_mem>>, %arg16: memref<!tpu.dma_semaphore, #tpu.memory_space<semaphore_mem>>, %arg17: memref<!tpu.dma_semaphore, #tpu.memory_space<semaphore_mem>>, %arg18: memref<!tpu.dma_semaphore, #tpu.memory_space<semaphore_mem>>, %arg19: memref<!tpu.dma_semaphore, #tpu.memory_space<semaphore_mem>>, %arg20: memref<!tpu.dma_semaphore, #tpu.memory_space<semaphore_mem>>, %arg21: memref<!tpu.dma_semaphore, #tpu.memory_space<semaphore_mem>>) attributes {dimension_semantics = [#tpu.dimension_semantics<core_parallel>, #tpu.dimension_semantics<subcore_parallel>], iteration_bounds = array<i64: 2, 16>, scalar_prefetch = 0 : i64, scratch_operands = 14 : i64, tpu.core_type = #tpu.core_type<sc_vector_subcore>, window_params = [{transform_indices = #map}, {transform_indices = #map}, {transform_indices = #map}, {transform_indices = #map1}, {transform_indices = #map1}, {transform_indices = #map}]} {
    %mul3A = arith.constant 2 : i32
    %mul3A_0 = arith.muli %arg1, %mul3A : i32
    %add3A = arith.addi %mul3A_0, %arg0 : i32
    %scan3A = arith.constant 0 : i32
    %scan3A_1 = arith.constant 8 : i32
    %scan3A_2 = arith.addi %scan3A, %scan3A_1 : i32
    %scan3A_3 = arith.constant 1 : i32
    scf.for %scan3A_5 = %scan3A to %scan3A_2 step %scan3A_3  : i32 {
      %mul3A_6 = arith.constant 1 : i32
      %mul3A_7 = arith.muli %scan3A_5, %mul3A_6 : i32
      %add3A_8 = arith.constant 0 : i32
      %add3A_9 = arith.addi %add3A_8, %mul3A_7 : i32
      %mul3A_10 = arith.constant 512 : i32
      %mul3A_11 = arith.muli %add3A, %mul3A_10 : i32
      %mul3A_12 = arith.constant 64 : i32
      %mul3A_13 = arith.muli %add3A_9, %mul3A_12 : i32
      %add3A_14 = arith.addi %mul3A_11, %mul3A_13 : i32
      "tpu.region"() ({
        %run_scoped3A = tpu.sem_alloc : memref<!tpu.dma_semaphore, #tpu.memory_space<semaphore_mem>>
        %dma_start3A = arith.constant 0 : i32
        %dma_start3A_312 = tpu.memref_slice %arg9[%dma_start3A] : memref<448xi32, #tpu.memory_space<vmem>> -> memref<64xi32, #tpu.memory_space<vmem>>
        %dma_start3A_313 = tpu.memref_slice %arg2[%add3A_14] : memref<16384xi32, #tpu.memory_space<hbm>> -> memref<64xi32, #tpu.memory_space<hbm>>
        %dma_start3A_314 = arith.constant 0 : i32
        %dma_start3A_315 = tpu.memref_slice %arg9[%dma_start3A_314] : memref<448xi32, #tpu.memory_space<vmem>> -> memref<64xi32, #tpu.memory_space<vmem>>
        %dma_start3A_316 = tpu.memref_slice %arg2[%add3A_14] : memref<16384xi32, #tpu.memory_space<hbm>> -> memref<64xi32, #tpu.memory_space<hbm>>
        tpu.enqueue_dma source(%dma_start3A_316 : memref<64xi32, #tpu.memory_space<hbm>>) target(%dma_start3A_315 : memref<64xi32, #tpu.memory_space<vmem>>) target_semaphore(%run_scoped3A : memref<!tpu.dma_semaphore, #tpu.memory_space<semaphore_mem>>)
        %dma_wait3A_317 = arith.constant 0 : i32
        %dma_wait3A_318 = tpu.memref_slice %arg9[%dma_wait3A_317] : memref<448xi32, #tpu.memory_space<vmem>> -> memref<64xi32, #tpu.memory_space<vmem>>
        %dma_wait3A_319 = tpu.memref_slice %arg2[%add3A_14] : memref<16384xi32, #tpu.memory_space<hbm>> -> memref<64xi32, #tpu.memory_space<hbm>>
        %dma_wait3A_320 = arith.constant 0 : i32
        %dma_wait3A_321 = tpu.memref_slice %arg9[%dma_wait3A_320] : memref<448xi32, #tpu.memory_space<vmem>> -> memref<64xi32, #tpu.memory_space<vmem>>
        %dma_wait3A_322 = tpu.memref_slice %arg2[%add3A_14] : memref<16384xi32, #tpu.memory_space<hbm>> -> memref<64xi32, #tpu.memory_space<hbm>>
        tpu.wait_dma2 semaphore(%run_scoped3A : memref<!tpu.dma_semaphore, #tpu.memory_space<semaphore_mem>>) src(%dma_wait3A_322 : memref<64xi32, #tpu.memory_space<hbm>>) dst(%dma_wait3A_321 : memref<64xi32, #tpu.memory_space<vmem>>)
        tpu.yield
      }) : () -> ()
      "tpu.region"() ({
        %run_scoped3A = tpu.sem_alloc : memref<!tpu.dma_semaphore, #tpu.memory_space<semaphore_mem>>
        %dma_start3A = arith.constant 64 : i32
        %dma_start3A_312 = tpu.memref_slice %arg9[%dma_start3A] : memref<448xi32, #tpu.memory_space<vmem>> -> memref<64xi32, #tpu.memory_space<vmem>>
        %dma_start3A_313 = tpu.memref_slice %arg3[%add3A_14] : memref<16384xi32, #tpu.memory_space<hbm>> -> memref<64xi32, #tpu.memory_space<hbm>>
        %dma_start3A_314 = arith.constant 64 : i32
        %dma_start3A_315 = tpu.memref_slice %arg9[%dma_start3A_314] : memref<448xi32, #tpu.memory_space<vmem>> -> memref<64xi32, #tpu.memory_space<vmem>>
        %dma_start3A_316 = tpu.memref_slice %arg3[%add3A_14] : memref<16384xi32, #tpu.memory_space<hbm>> -> memref<64xi32, #tpu.memory_space<hbm>>
        tpu.enqueue_dma source(%dma_start3A_316 : memref<64xi32, #tpu.memory_space<hbm>>) target(%dma_start3A_315 : memref<64xi32, #tpu.memory_space<vmem>>) target_semaphore(%run_scoped3A : memref<!tpu.dma_semaphore, #tpu.memory_space<semaphore_mem>>)
        %dma_wait3A_317 = arith.constant 64 : i32
        %dma_wait3A_318 = tpu.memref_slice %arg9[%dma_wait3A_317] : memref<448xi32, #tpu.memory_space<vmem>> -> memref<64xi32, #tpu.memory_space<vmem>>
        %dma_wait3A_319 = tpu.memref_slice %arg3[%add3A_14] : memref<16384xi32, #tpu.memory_space<hbm>> -> memref<64xi32, #tpu.memory_space<hbm>>
        %dma_wait3A_320 = arith.constant 64 : i32
        %dma_wait3A_321 = tpu.memref_slice %arg9[%dma_wait3A_320] : memref<448xi32, #tpu.memory_space<vmem>> -> memref<64xi32, #tpu.memory_space<vmem>>
        %dma_wait3A_322 = tpu.memref_slice %arg3[%add3A_14] : memref<16384xi32, #tpu.memory_space<hbm>> -> memref<64xi32, #tpu.memory_space<hbm>>
        tpu.wait_dma2 semaphore(%run_scoped3A : memref<!tpu.dma_semaphore, #tpu.memory_space<semaphore_mem>>) src(%dma_wait3A_322 : memref<64xi32, #tpu.memory_space<hbm>>) dst(%dma_wait3A_321 : memref<64xi32, #tpu.memory_space<vmem>>)
        tpu.yield
      }) : () -> ()
      %add3A_15 = arith.constant 0 : i32
      %add3A_16 = arith.addi %add3A_15, %add3A_14 : i32
      "tpu.region"() ({
        %run_scoped3A = tpu.sem_alloc : memref<!tpu.dma_semaphore, #tpu.memory_space<semaphore_mem>>
        %dma_start3A = arith.constant 128 : i32
        %dma_start3A_312 = tpu.memref_slice %arg9[%dma_start3A] : memref<448xi32, #tpu.memory_space<vmem>> -> memref<64xi32, #tpu.memory_space<vmem>>
        %dma_start3A_313 = tpu.memref_slice %arg4[%add3A_16] : memref<81920xi32, #tpu.memory_space<hbm>> -> memref<64xi32, #tpu.memory_space<hbm>>
        %dma_start3A_314 = arith.constant 128 : i32
        %dma_start3A_315 = tpu.memref_slice %arg9[%dma_start3A_314] : memref<448xi32, #tpu.memory_space<vmem>> -> memref<64xi32, #tpu.memory_space<vmem>>
        %dma_start3A_316 = tpu.memref_slice %arg4[%add3A_16] : memref<81920xi32, #tpu.memory_space<hbm>> -> memref<64xi32, #tpu.memory_space<hbm>>
        tpu.enqueue_dma source(%dma_start3A_316 : memref<64xi32, #tpu.memory_space<hbm>>) target(%dma_start3A_315 : memref<64xi32, #tpu.memory_space<vmem>>) target_semaphore(%run_scoped3A : memref<!tpu.dma_semaphore, #tpu.memory_space<semaphore_mem>>)
        %dma_wait3A_317 = arith.constant 128 : i32
        %dma_wait3A_318 = tpu.memref_slice %arg9[%dma_wait3A_317] : memref<448xi32, #tpu.memory_space<vmem>> -> memref<64xi32, #tpu.memory_space<vmem>>
        %dma_wait3A_319 = tpu.memref_slice %arg4[%add3A_16] : memref<81920xi32, #tpu.memory_space<hbm>> -> memref<64xi32, #tpu.memory_space<hbm>>
        %dma_wait3A_320 = arith.constant 128 : i32
        %dma_wait3A_321 = tpu.memref_slice %arg9[%dma_wait3A_320] : memref<448xi32, #tpu.memory_space<vmem>> -> memref<64xi32, #tpu.memory_space<vmem>>
        %dma_wait3A_322 = tpu.memref_slice %arg4[%add3A_16] : memref<81920xi32, #tpu.memory_space<hbm>> -> memref<64xi32, #tpu.memory_space<hbm>>
        tpu.wait_dma2 semaphore(%run_scoped3A : memref<!tpu.dma_semaphore, #tpu.memory_space<semaphore_mem>>) src(%dma_wait3A_322 : memref<64xi32, #tpu.memory_space<hbm>>) dst(%dma_wait3A_321 : memref<64xi32, #tpu.memory_space<vmem>>)
        tpu.yield
      }) : () -> ()
      %add3A_17 = arith.constant 16384 : i32
      %add3A_18 = arith.addi %add3A_17, %add3A_14 : i32
      "tpu.region"() ({
        %run_scoped3A = tpu.sem_alloc : memref<!tpu.dma_semaphore, #tpu.memory_space<semaphore_mem>>
        %dma_start3A = arith.constant 192 : i32
        %dma_start3A_312 = tpu.memref_slice %arg9[%dma_start3A] : memref<448xi32, #tpu.memory_space<vmem>> -> memref<64xi32, #tpu.memory_space<vmem>>
        %dma_start3A_313 = tpu.memref_slice %arg4[%add3A_18] : memref<81920xi32, #tpu.memory_space<hbm>> -> memref<64xi32, #tpu.memory_space<hbm>>
        %dma_start3A_314 = arith.constant 192 : i32
        %dma_start3A_315 = tpu.memref_slice %arg9[%dma_start3A_314] : memref<448xi32, #tpu.memory_space<vmem>> -> memref<64xi32, #tpu.memory_space<vmem>>
        %dma_start3A_316 = tpu.memref_slice %arg4[%add3A_18] : memref<81920xi32, #tpu.memory_space<hbm>> -> memref<64xi32, #tpu.memory_space<hbm>>
        tpu.enqueue_dma source(%dma_start3A_316 : memref<64xi32, #tpu.memory_space<hbm>>) target(%dma_start3A_315 : memref<64xi32, #tpu.memory_space<vmem>>) target_semaphore(%run_scoped3A : memref<!tpu.dma_semaphore, #tpu.memory_space<semaphore_mem>>)
        %dma_wait3A_317 = arith.constant 192 : i32
        %dma_wait3A_318 = tpu.memref_slice %arg9[%dma_wait3A_317] : memref<448xi32, #tpu.memory_space<vmem>> -> memref<64xi32, #tpu.memory_space<vmem>>
        %dma_wait3A_319 = tpu.memref_slice %arg4[%add3A_18] : memref<81920xi32, #tpu.memory_space<hbm>> -> memref<64xi32, #tpu.memory_space<hbm>>
        %dma_wait3A_320 = arith.constant 192 : i32
        %dma_wait3A_321 = tpu.memref_slice %arg9[%dma_wait3A_320] : memref<448xi32, #tpu.memory_space<vmem>> -> memref<64xi32, #tpu.memory_space<vmem>>
        %dma_wait3A_322 = tpu.memref_slice %arg4[%add3A_18] : memref<81920xi32, #tpu.memory_space<hbm>> -> memref<64xi32, #tpu.memory_space<hbm>>
        tpu.wait_dma2 semaphore(%run_scoped3A : memref<!tpu.dma_semaphore, #tpu.memory_space<semaphore_mem>>) src(%dma_wait3A_322 : memref<64xi32, #tpu.memory_space<hbm>>) dst(%dma_wait3A_321 : memref<64xi32, #tpu.memory_space<vmem>>)
        tpu.yield
      }) : () -> ()
      %add3A_19 = arith.constant 32768 : i32
      %add3A_20 = arith.addi %add3A_19, %add3A_14 : i32
      "tpu.region"() ({
        %run_scoped3A = tpu.sem_alloc : memref<!tpu.dma_semaphore, #tpu.memory_space<semaphore_mem>>
        %dma_start3A = arith.constant 256 : i32
        %dma_start3A_312 = tpu.memref_slice %arg9[%dma_start3A] : memref<448xi32, #tpu.memory_space<vmem>> -> memref<64xi32, #tpu.memory_space<vmem>>
        %dma_start3A_313 = tpu.memref_slice %arg4[%add3A_20] : memref<81920xi32, #tpu.memory_space<hbm>> -> memref<64xi32, #tpu.memory_space<hbm>>
        %dma_start3A_314 = arith.constant 256 : i32
        %dma_start3A_315 = tpu.memref_slice %arg9[%dma_start3A_314] : memref<448xi32, #tpu.memory_space<vmem>> -> memref<64xi32, #tpu.memory_space<vmem>>
        %dma_start3A_316 = tpu.memref_slice %arg4[%add3A_20] : memref<81920xi32, #tpu.memory_space<hbm>> -> memref<64xi32, #tpu.memory_space<hbm>>
        tpu.enqueue_dma source(%dma_start3A_316 : memref<64xi32, #tpu.memory_space<hbm>>) target(%dma_start3A_315 : memref<64xi32, #tpu.memory_space<vmem>>) target_semaphore(%run_scoped3A : memref<!tpu.dma_semaphore, #tpu.memory_space<semaphore_mem>>)
        %dma_wait3A_317 = arith.constant 256 : i32
        %dma_wait3A_318 = tpu.memref_slice %arg9[%dma_wait3A_317] : memref<448xi32, #tpu.memory_space<vmem>> -> memref<64xi32, #tpu.memory_space<vmem>>
        %dma_wait3A_319 = tpu.memref_slice %arg4[%add3A_20] : memref<81920xi32, #tpu.memory_space<hbm>> -> memref<64xi32, #tpu.memory_space<hbm>>
        %dma_wait3A_320 = arith.constant 256 : i32
        %dma_wait3A_321 = tpu.memref_slice %arg9[%dma_wait3A_320] : memref<448xi32, #tpu.memory_space<vmem>> -> memref<64xi32, #tpu.memory_space<vmem>>
        %dma_wait3A_322 = tpu.memref_slice %arg4[%add3A_20] : memref<81920xi32, #tpu.memory_space<hbm>> -> memref<64xi32, #tpu.memory_space<hbm>>
        tpu.wait_dma2 semaphore(%run_scoped3A : memref<!tpu.dma_semaphore, #tpu.memory_space<semaphore_mem>>) src(%dma_wait3A_322 : memref<64xi32, #tpu.memory_space<hbm>>) dst(%dma_wait3A_321 : memref<64xi32, #tpu.memory_space<vmem>>)
        tpu.yield
      }) : () -> ()
      %add3A_21 = arith.constant 49152 : i32
      %add3A_22 = arith.addi %add3A_21, %add3A_14 : i32
      "tpu.region"() ({
        %run_scoped3A = tpu.sem_alloc : memref<!tpu.dma_semaphore, #tpu.memory_space<semaphore_mem>>
        %dma_start3A = arith.constant 320 : i32
        %dma_start3A_312 = tpu.memref_slice %arg9[%dma_start3A] : memref<448xi32, #tpu.memory_space<vmem>> -> memref<64xi32, #tpu.memory_space<vmem>>
        %dma_start3A_313 = tpu.memref_slice %arg4[%add3A_22] : memref<81920xi32, #tpu.memory_space<hbm>> -> memref<64xi32, #tpu.memory_space<hbm>>
        %dma_start3A_314 = arith.constant 320 : i32
        %dma_start3A_315 = tpu.memref_slice %arg9[%dma_start3A_314] : memref<448xi32, #tpu.memory_space<vmem>> -> memref<64xi32, #tpu.memory_space<vmem>>
        %dma_start3A_316 = tpu.memref_slice %arg4[%add3A_22] : memref<81920xi32, #tpu.memory_space<hbm>> -> memref<64xi32, #tpu.memory_space<hbm>>
        tpu.enqueue_dma source(%dma_start3A_316 : memref<64xi32, #tpu.memory_space<hbm>>) target(%dma_start3A_315 : memref<64xi32, #tpu.memory_space<vmem>>) target_semaphore(%run_scoped3A : memref<!tpu.dma_semaphore, #tpu.memory_space<semaphore_mem>>)
        %dma_wait3A_317 = arith.constant 320 : i32
        %dma_wait3A_318 = tpu.memref_slice %arg9[%dma_wait3A_317] : memref<448xi32, #tpu.memory_space<vmem>> -> memref<64xi32, #tpu.memory_space<vmem>>
        %dma_wait3A_319 = tpu.memref_slice %arg4[%add3A_22] : memref<81920xi32, #tpu.memory_space<hbm>> -> memref<64xi32, #tpu.memory_space<hbm>>
        %dma_wait3A_320 = arith.constant 320 : i32
        %dma_wait3A_321 = tpu.memref_slice %arg9[%dma_wait3A_320] : memref<448xi32, #tpu.memory_space<vmem>> -> memref<64xi32, #tpu.memory_space<vmem>>
        %dma_wait3A_322 = tpu.memref_slice %arg4[%add3A_22] : memref<81920xi32, #tpu.memory_space<hbm>> -> memref<64xi32, #tpu.memory_space<hbm>>
        tpu.wait_dma2 semaphore(%run_scoped3A : memref<!tpu.dma_semaphore, #tpu.memory_space<semaphore_mem>>) src(%dma_wait3A_322 : memref<64xi32, #tpu.memory_space<hbm>>) dst(%dma_wait3A_321 : memref<64xi32, #tpu.memory_space<vmem>>)
        tpu.yield
      }) : () -> ()
      %add3A_23 = arith.constant 65536 : i32
      %add3A_24 = arith.addi %add3A_23, %add3A_14 : i32
      "tpu.region"() ({
        %run_scoped3A = tpu.sem_alloc : memref<!tpu.dma_semaphore, #tpu.memory_space<semaphore_mem>>
        %dma_start3A = arith.constant 384 : i32
        %dma_start3A_312 = tpu.memref_slice %arg9[%dma_start3A] : memref<448xi32, #tpu.memory_space<vmem>> -> memref<64xi32, #tpu.memory_space<vmem>>
        %dma_start3A_313 = tpu.memref_slice %arg4[%add3A_24] : memref<81920xi32, #tpu.memory_space<hbm>> -> memref<64xi32, #tpu.memory_space<hbm>>
        %dma_start3A_314 = arith.constant 384 : i32
        %dma_start3A_315 = tpu.memref_slice %arg9[%dma_start3A_314] : memref<448xi32, #tpu.memory_space<vmem>> -> memref<64xi32, #tpu.memory_space<vmem>>
        %dma_start3A_316 = tpu.memref_slice %arg4[%add3A_24] : memref<81920xi32, #tpu.memory_space<hbm>> -> memref<64xi32, #tpu.memory_space<hbm>>
        tpu.enqueue_dma source(%dma_start3A_316 : memref<64xi32, #tpu.memory_space<hbm>>) target(%dma_start3A_315 : memref<64xi32, #tpu.memory_space<vmem>>) target_semaphore(%run_scoped3A : memref<!tpu.dma_semaphore, #tpu.memory_space<semaphore_mem>>)
        %dma_wait3A_317 = arith.constant 384 : i32
        %dma_wait3A_318 = tpu.memref_slice %arg9[%dma_wait3A_317] : memref<448xi32, #tpu.memory_space<vmem>> -> memref<64xi32, #tpu.memory_space<vmem>>
        %dma_wait3A_319 = tpu.memref_slice %arg4[%add3A_24] : memref<81920xi32, #tpu.memory_space<hbm>> -> memref<64xi32, #tpu.memory_space<hbm>>
        %dma_wait3A_320 = arith.constant 384 : i32
        %dma_wait3A_321 = tpu.memref_slice %arg9[%dma_wait3A_320] : memref<448xi32, #tpu.memory_space<vmem>> -> memref<64xi32, #tpu.memory_space<vmem>>
        %dma_wait3A_322 = tpu.memref_slice %arg4[%add3A_24] : memref<81920xi32, #tpu.memory_space<hbm>> -> memref<64xi32, #tpu.memory_space<hbm>>
        tpu.wait_dma2 semaphore(%run_scoped3A : memref<!tpu.dma_semaphore, #tpu.memory_space<semaphore_mem>>) src(%dma_wait3A_322 : memref<64xi32, #tpu.memory_space<hbm>>) dst(%dma_wait3A_321 : memref<64xi32, #tpu.memory_space<vmem>>)
        tpu.yield
      }) : () -> ()
      "tpu.region"() ({
        %run_scoped3A = tpu.sem_alloc : memref<!tpu.dma_semaphore, #tpu.memory_space<semaphore_mem>>
        %dma_start3A = arith.constant 0 : i32
        %dma_start3A_312 = tpu.memref_slice %arg10[%arg1, %dma_start3A] : memref<16x448xi32, #tpu.memory_space<vmem_shared>> -> memref<1x448xi32, #tpu.memory_space<vmem_shared>>
        %dma_start3A_313 = tpu.memref_squeeze %dma_start3A_312 : memref<1x448xi32, #tpu.memory_space<vmem_shared>> -> memref<448xi32, #tpu.memory_space<vmem_shared>>
        %dma_start3A_314 = arith.constant 0 : i32
        %dma_start3A_315 = tpu.memref_slice %arg10[%arg1, %dma_start3A_314] : memref<16x448xi32, #tpu.memory_space<vmem_shared>> -> memref<1x448xi32, #tpu.memory_space<vmem_shared>>
        %dma_start3A_316 = tpu.memref_squeeze %dma_start3A_315 : memref<1x448xi32, #tpu.memory_space<vmem_shared>> -> memref<448xi32, #tpu.memory_space<vmem_shared>>
        tpu.enqueue_dma source(%arg9 : memref<448xi32, #tpu.memory_space<vmem>>) target(%dma_start3A_316 : memref<448xi32, #tpu.memory_space<vmem_shared>>) target_semaphore(%run_scoped3A : memref<!tpu.dma_semaphore, #tpu.memory_space<semaphore_mem>>)
        %dma_wait3A_317 = arith.constant 0 : i32
        %dma_wait3A_318 = tpu.memref_slice %arg10[%arg1, %dma_wait3A_317] : memref<16x448xi32, #tpu.memory_space<vmem_shared>> -> memref<1x448xi32, #tpu.memory_space<vmem_shared>>
        %dma_wait3A_319 = tpu.memref_squeeze %dma_wait3A_318 : memref<1x448xi32, #tpu.memory_space<vmem_shared>> -> memref<448xi32, #tpu.memory_space<vmem_shared>>
        %dma_wait3A_320 = arith.constant 0 : i32
        %dma_wait3A_321 = tpu.memref_slice %arg10[%arg1, %dma_wait3A_320] : memref<16x448xi32, #tpu.memory_space<vmem_shared>> -> memref<1x448xi32, #tpu.memory_space<vmem_shared>>
        %dma_wait3A_322 = tpu.memref_squeeze %dma_wait3A_321 : memref<1x448xi32, #tpu.memory_space<vmem_shared>> -> memref<448xi32, #tpu.memory_space<vmem_shared>>
        tpu.wait_dma2 semaphore(%run_scoped3A : memref<!tpu.dma_semaphore, #tpu.memory_space<semaphore_mem>>) src(%arg9 : memref<448xi32, #tpu.memory_space<vmem>>) dst(%dma_wait3A_322 : memref<448xi32, #tpu.memory_space<vmem_shared>>)
        tpu.yield
      }) : () -> ()
      "tpu.region"() ({
        %run_scoped3A = tpu.sem_alloc : memref<!tpu.dma_semaphore, #tpu.memory_space<semaphore_mem>>
        %dma_start3A = arith.constant 0 : i32
        %dma_start3A_312 = tpu.memref_slice %arg10[%arg1, %dma_start3A] : memref<16x448xi32, #tpu.memory_space<vmem_shared>> -> memref<1x448xi32, #tpu.memory_space<vmem_shared>>
        %dma_start3A_313 = tpu.memref_squeeze %dma_start3A_312 : memref<1x448xi32, #tpu.memory_space<vmem_shared>> -> memref<448xi32, #tpu.memory_space<vmem_shared>>
        tpu.enqueue_dma source(%dma_start3A_313 : memref<448xi32, #tpu.memory_space<vmem_shared>>) target(%arg8 : memref<448xi32, #tpu.memory_space<smem>>) target_semaphore(%run_scoped3A : memref<!tpu.dma_semaphore, #tpu.memory_space<semaphore_mem>>)
        %dma_wait3A_314 = arith.constant 0 : i32
        %dma_wait3A_315 = tpu.memref_slice %arg10[%arg1, %dma_wait3A_314] : memref<16x448xi32, #tpu.memory_space<vmem_shared>> -> memref<1x448xi32, #tpu.memory_space<vmem_shared>>
        %dma_wait3A_316 = tpu.memref_squeeze %dma_wait3A_315 : memref<1x448xi32, #tpu.memory_space<vmem_shared>> -> memref<448xi32, #tpu.memory_space<vmem_shared>>
        tpu.wait_dma2 semaphore(%run_scoped3A : memref<!tpu.dma_semaphore, #tpu.memory_space<semaphore_mem>>) src(%dma_wait3A_316 : memref<448xi32, #tpu.memory_space<vmem_shared>>) dst(%arg8 : memref<448xi32, #tpu.memory_space<smem>>)
        tpu.yield
      }) : () -> ()
      %scan3A_25 = arith.constant 0 : i32
      %scan3A_26 = arith.constant 64 : i32
      %scan3A_27 = arith.addi %scan3A_25, %scan3A_26 : i32
      %scan3A_28 = arith.constant 1 : i32
      scf.for %scan3A_312 = %scan3A_25 to %scan3A_27 step %scan3A_28  : i32 {
        %mul3A_313 = arith.constant 1 : i32
        %mul3A_314 = arith.muli %scan3A_312, %mul3A_313 : i32
        %add3A_315 = arith.constant 0 : i32
        %add3A_316 = arith.addi %add3A_315, %mul3A_314 : i32
        %get3A = arith.index_cast %add3A_316 : i32 to index
        %get3A_317 = memref.load %arg8[%get3A] : memref<448xi32, #tpu.memory_space<smem>>
        %dma_start3A = arith.constant 0 : i32
        %dma_start3A_318 = tpu.memref_slice %arg11[%add3A_316, %dma_start3A] : memref<64x64xf32, #tpu.memory_space<vmem>> -> memref<1x64xf32, #tpu.memory_space<vmem>>
        %dma_start3A_319 = arith.constant 0 : i32
        %dma_start3A_320 = tpu.memref_slice %arg5[%get3A_317, %dma_start3A_319] : memref<1000000x64xf32, #tpu.memory_space<hbm>> -> memref<1x64xf32, #tpu.memory_space<hbm>>
        %dma_start3A_321 = arith.constant 0 : i32
        %dma_start3A_322 = tpu.memref_slice %arg11[%add3A_316, %dma_start3A_321] : memref<64x64xf32, #tpu.memory_space<vmem>> -> memref<1x64xf32, #tpu.memory_space<vmem>>
        %dma_start3A_323 = arith.constant 0 : i32
        %dma_start3A_324 = tpu.memref_slice %arg5[%get3A_317, %dma_start3A_323] : memref<1000000x64xf32, #tpu.memory_space<hbm>> -> memref<1x64xf32, #tpu.memory_space<hbm>>
        tpu.enqueue_dma source(%dma_start3A_324 : memref<1x64xf32, #tpu.memory_space<hbm>>) target(%dma_start3A_322 : memref<1x64xf32, #tpu.memory_space<vmem>>) target_semaphore(%arg15 : memref<!tpu.dma_semaphore, #tpu.memory_space<semaphore_mem>>)
        %add3A_325 = arith.constant 64 : i32
        %add3A_326 = arith.addi %add3A_325, %add3A_316 : i32
        %get3A_327 = arith.index_cast %add3A_326 : i32 to index
        %get3A_328 = memref.load %arg8[%get3A_327] : memref<448xi32, #tpu.memory_space<smem>>
        %dma_start3A_329 = arith.constant 0 : i32
        %dma_start3A_330 = tpu.memref_slice %arg12[%add3A_316, %dma_start3A_329] : memref<64x64xf32, #tpu.memory_space<vmem>> -> memref<1x64xf32, #tpu.memory_space<vmem>>
        %dma_start3A_331 = arith.constant 0 : i32
        %dma_start3A_332 = tpu.memref_slice %arg6[%get3A_328, %dma_start3A_331] : memref<1000000x64xf32, #tpu.memory_space<hbm>> -> memref<1x64xf32, #tpu.memory_space<hbm>>
        %dma_start3A_333 = arith.constant 0 : i32
        %dma_start3A_334 = tpu.memref_slice %arg12[%add3A_316, %dma_start3A_333] : memref<64x64xf32, #tpu.memory_space<vmem>> -> memref<1x64xf32, #tpu.memory_space<vmem>>
        %dma_start3A_335 = arith.constant 0 : i32
        %dma_start3A_336 = tpu.memref_slice %arg6[%get3A_328, %dma_start3A_335] : memref<1000000x64xf32, #tpu.memory_space<hbm>> -> memref<1x64xf32, #tpu.memory_space<hbm>>
        tpu.enqueue_dma source(%dma_start3A_336 : memref<1x64xf32, #tpu.memory_space<hbm>>) target(%dma_start3A_334 : memref<1x64xf32, #tpu.memory_space<vmem>>) target_semaphore(%arg16 : memref<!tpu.dma_semaphore, #tpu.memory_space<semaphore_mem>>)
        %add3A_337 = arith.constant 128 : i32
        %add3A_338 = arith.addi %add3A_337, %add3A_316 : i32
        %get3A_339 = arith.index_cast %add3A_338 : i32 to index
        %get3A_340 = memref.load %arg8[%get3A_339] : memref<448xi32, #tpu.memory_space<smem>>
        %dma_start3A_341 = arith.constant 0 : i32
        %dma_start3A_342 = arith.constant 0 : i32
        %dma_start3A_343 = tpu.memref_slice %arg13[%dma_start3A_341, %add3A_316, %dma_start3A_342] : memref<5x64x64xf32, #tpu.memory_space<vmem>> -> memref<1x1x64xf32, #tpu.memory_space<vmem>>
        %dma_start3A_344 = tpu.memref_squeeze %dma_start3A_343 : memref<1x1x64xf32, #tpu.memory_space<vmem>> -> memref<1x64xf32, #tpu.memory_space<vmem>>
        %dma_start3A_345 = arith.constant 0 : i32
        %dma_start3A_346 = tpu.memref_slice %arg6[%get3A_340, %dma_start3A_345] : memref<1000000x64xf32, #tpu.memory_space<hbm>> -> memref<1x64xf32, #tpu.memory_space<hbm>>
        %dma_start3A_347 = arith.constant 0 : i32
        %dma_start3A_348 = tpu.memref_slice %arg13[%dma_start3A_341, %add3A_316, %dma_start3A_347] : memref<5x64x64xf32, #tpu.memory_space<vmem>> -> memref<1x1x64xf32, #tpu.memory_space<vmem>>
        %dma_start3A_349 = tpu.memref_squeeze %dma_start3A_348 : memref<1x1x64xf32, #tpu.memory_space<vmem>> -> memref<1x64xf32, #tpu.memory_space<vmem>>
        %dma_start3A_350 = arith.constant 0 : i32
        %dma_start3A_351 = tpu.memref_slice %arg6[%get3A_340, %dma_start3A_350] : memref<1000000x64xf32, #tpu.memory_space<hbm>> -> memref<1x64xf32, #tpu.memory_space<hbm>>
        tpu.enqueue_dma source(%dma_start3A_351 : memref<1x64xf32, #tpu.memory_space<hbm>>) target(%dma_start3A_349 : memref<1x64xf32, #tpu.memory_space<vmem>>) target_semaphore(%arg17 : memref<!tpu.dma_semaphore, #tpu.memory_space<semaphore_mem>>)
        %add3A_352 = arith.constant 192 : i32
        %add3A_353 = arith.addi %add3A_352, %add3A_316 : i32
        %get3A_354 = arith.index_cast %add3A_353 : i32 to index
        %get3A_355 = memref.load %arg8[%get3A_354] : memref<448xi32, #tpu.memory_space<smem>>
        %dma_start3A_356 = arith.constant 1 : i32
        %dma_start3A_357 = arith.constant 0 : i32
        %dma_start3A_358 = tpu.memref_slice %arg13[%dma_start3A_356, %add3A_316, %dma_start3A_357] : memref<5x64x64xf32, #tpu.memory_space<vmem>> -> memref<1x1x64xf32, #tpu.memory_space<vmem>>
        %dma_start3A_359 = tpu.memref_squeeze %dma_start3A_358 : memref<1x1x64xf32, #tpu.memory_space<vmem>> -> memref<1x64xf32, #tpu.memory_space<vmem>>
        %dma_start3A_360 = arith.constant 0 : i32
        %dma_start3A_361 = tpu.memref_slice %arg6[%get3A_355, %dma_start3A_360] : memref<1000000x64xf32, #tpu.memory_space<hbm>> -> memref<1x64xf32, #tpu.memory_space<hbm>>
        %dma_start3A_362 = arith.constant 0 : i32
        %dma_start3A_363 = tpu.memref_slice %arg13[%dma_start3A_356, %add3A_316, %dma_start3A_362] : memref<5x64x64xf32, #tpu.memory_space<vmem>> -> memref<1x1x64xf32, #tpu.memory_space<vmem>>
        %dma_start3A_364 = tpu.memref_squeeze %dma_start3A_363 : memref<1x1x64xf32, #tpu.memory_space<vmem>> -> memref<1x64xf32, #tpu.memory_space<vmem>>
        %dma_start3A_365 = arith.constant 0 : i32
        %dma_start3A_366 = tpu.memref_slice %arg6[%get3A_355, %dma_start3A_365] : memref<1000000x64xf32, #tpu.memory_space<hbm>> -> memref<1x64xf32, #tpu.memory_space<hbm>>
        tpu.enqueue_dma source(%dma_start3A_366 : memref<1x64xf32, #tpu.memory_space<hbm>>) target(%dma_start3A_364 : memref<1x64xf32, #tpu.memory_space<vmem>>) target_semaphore(%arg18 : memref<!tpu.dma_semaphore, #tpu.memory_space<semaphore_mem>>)
        %add3A_367 = arith.constant 256 : i32
        %add3A_368 = arith.addi %add3A_367, %add3A_316 : i32
        %get3A_369 = arith.index_cast %add3A_368 : i32 to index
        %get3A_370 = memref.load %arg8[%get3A_369] : memref<448xi32, #tpu.memory_space<smem>>
        %dma_start3A_371 = arith.constant 2 : i32
        %dma_start3A_372 = arith.constant 0 : i32
        %dma_start3A_373 = tpu.memref_slice %arg13[%dma_start3A_371, %add3A_316, %dma_start3A_372] : memref<5x64x64xf32, #tpu.memory_space<vmem>> -> memref<1x1x64xf32, #tpu.memory_space<vmem>>
        %dma_start3A_374 = tpu.memref_squeeze %dma_start3A_373 : memref<1x1x64xf32, #tpu.memory_space<vmem>> -> memref<1x64xf32, #tpu.memory_space<vmem>>
        %dma_start3A_375 = arith.constant 0 : i32
        %dma_start3A_376 = tpu.memref_slice %arg6[%get3A_370, %dma_start3A_375] : memref<1000000x64xf32, #tpu.memory_space<hbm>> -> memref<1x64xf32, #tpu.memory_space<hbm>>
        %dma_start3A_377 = arith.constant 0 : i32
        %dma_start3A_378 = tpu.memref_slice %arg13[%dma_start3A_371, %add3A_316, %dma_start3A_377] : memref<5x64x64xf32, #tpu.memory_space<vmem>> -> memref<1x1x64xf32, #tpu.memory_space<vmem>>
        %dma_start3A_379 = tpu.memref_squeeze %dma_start3A_378 : memref<1x1x64xf32, #tpu.memory_space<vmem>> -> memref<1x64xf32, #tpu.memory_space<vmem>>
        %dma_start3A_380 = arith.constant 0 : i32
        %dma_start3A_381 = tpu.memref_slice %arg6[%get3A_370, %dma_start3A_380] : memref<1000000x64xf32, #tpu.memory_space<hbm>> -> memref<1x64xf32, #tpu.memory_space<hbm>>
        tpu.enqueue_dma source(%dma_start3A_381 : memref<1x64xf32, #tpu.memory_space<hbm>>) target(%dma_start3A_379 : memref<1x64xf32, #tpu.memory_space<vmem>>) target_semaphore(%arg19 : memref<!tpu.dma_semaphore, #tpu.memory_space<semaphore_mem>>)
        %add3A_382 = arith.constant 320 : i32
        %add3A_383 = arith.addi %add3A_382, %add3A_316 : i32
        %get3A_384 = arith.index_cast %add3A_383 : i32 to index
        %get3A_385 = memref.load %arg8[%get3A_384] : memref<448xi32, #tpu.memory_space<smem>>
        %dma_start3A_386 = arith.constant 3 : i32
        %dma_start3A_387 = arith.constant 0 : i32
        %dma_start3A_388 = tpu.memref_slice %arg13[%dma_start3A_386, %add3A_316, %dma_start3A_387] : memref<5x64x64xf32, #tpu.memory_space<vmem>> -> memref<1x1x64xf32, #tpu.memory_space<vmem>>
        %dma_start3A_389 = tpu.memref_squeeze %dma_start3A_388 : memref<1x1x64xf32, #tpu.memory_space<vmem>> -> memref<1x64xf32, #tpu.memory_space<vmem>>
        %dma_start3A_390 = arith.constant 0 : i32
        %dma_start3A_391 = tpu.memref_slice %arg6[%get3A_385, %dma_start3A_390] : memref<1000000x64xf32, #tpu.memory_space<hbm>> -> memref<1x64xf32, #tpu.memory_space<hbm>>
        %dma_start3A_392 = arith.constant 0 : i32
        %dma_start3A_393 = tpu.memref_slice %arg13[%dma_start3A_386, %add3A_316, %dma_start3A_392] : memref<5x64x64xf32, #tpu.memory_space<vmem>> -> memref<1x1x64xf32, #tpu.memory_space<vmem>>
        %dma_start3A_394 = tpu.memref_squeeze %dma_start3A_393 : memref<1x1x64xf32, #tpu.memory_space<vmem>> -> memref<1x64xf32, #tpu.memory_space<vmem>>
        %dma_start3A_395 = arith.constant 0 : i32
        %dma_start3A_396 = tpu.memref_slice %arg6[%get3A_385, %dma_start3A_395] : memref<1000000x64xf32, #tpu.memory_space<hbm>> -> memref<1x64xf32, #tpu.memory_space<hbm>>
        tpu.enqueue_dma source(%dma_start3A_396 : memref<1x64xf32, #tpu.memory_space<hbm>>) target(%dma_start3A_394 : memref<1x64xf32, #tpu.memory_space<vmem>>) target_semaphore(%arg20 : memref<!tpu.dma_semaphore, #tpu.memory_space<semaphore_mem>>)
        %add3A_397 = arith.constant 384 : i32
        %add3A_398 = arith.addi %add3A_397, %add3A_316 : i32
        %get3A_399 = arith.index_cast %add3A_398 : i32 to index
        %get3A_400 = memref.load %arg8[%get3A_399] : memref<448xi32, #tpu.memory_space<smem>>
        %dma_start3A_401 = arith.constant 4 : i32
        %dma_start3A_402 = arith.constant 0 : i32
        %dma_start3A_403 = tpu.memref_slice %arg13[%dma_start3A_401, %add3A_316, %dma_start3A_402] : memref<5x64x64xf32, #tpu.memory_space<vmem>> -> memref<1x1x64xf32, #tpu.memory_space<vmem>>
        %dma_start3A_404 = tpu.memref_squeeze %dma_start3A_403 : memref<1x1x64xf32, #tpu.memory_space<vmem>> -> memref<1x64xf32, #tpu.memory_space<vmem>>
        %dma_start3A_405 = arith.constant 0 : i32
        %dma_start3A_406 = tpu.memref_slice %arg6[%get3A_400, %dma_start3A_405] : memref<1000000x64xf32, #tpu.memory_space<hbm>> -> memref<1x64xf32, #tpu.memory_space<hbm>>
        %dma_start3A_407 = arith.constant 0 : i32
        %dma_start3A_408 = tpu.memref_slice %arg13[%dma_start3A_401, %add3A_316, %dma_start3A_407] : memref<5x64x64xf32, #tpu.memory_space<vmem>> -> memref<1x1x64xf32, #tpu.memory_space<vmem>>
        %dma_start3A_409 = tpu.memref_squeeze %dma_start3A_408 : memref<1x1x64xf32, #tpu.memory_space<vmem>> -> memref<1x64xf32, #tpu.memory_space<vmem>>
        %dma_start3A_410 = arith.constant 0 : i32
        %dma_start3A_411 = tpu.memref_slice %arg6[%get3A_400, %dma_start3A_410] : memref<1000000x64xf32, #tpu.memory_space<hbm>> -> memref<1x64xf32, #tpu.memory_space<hbm>>
        tpu.enqueue_dma source(%dma_start3A_411 : memref<1x64xf32, #tpu.memory_space<hbm>>) target(%dma_start3A_409 : memref<1x64xf32, #tpu.memory_space<vmem>>) target_semaphore(%arg21 : memref<!tpu.dma_semaphore, #tpu.memory_space<semaphore_mem>>)
      }
      %scan3A_29 = arith.constant 64 : i32
      %dma_wait3A = arith.constant 0 : i32
      %dma_wait3A_30 = arith.constant 0 : i32
      %dma_wait3A_31 = tpu.memref_slice %arg5[%dma_wait3A, %dma_wait3A_30] : memref<1000000x64xf32, #tpu.memory_space<hbm>> -> memref<64x64xf32, #tpu.memory_space<hbm>>
      %dma_wait3A_32 = arith.constant 0 : i32
      %dma_wait3A_33 = arith.constant 0 : i32
      %dma_wait3A_34 = tpu.memref_slice %arg5[%dma_wait3A_32, %dma_wait3A_33] : memref<1000000x64xf32, #tpu.memory_space<hbm>> -> memref<64x64xf32, #tpu.memory_space<hbm>>
      tpu.wait_dma2 semaphore(%arg15 : memref<!tpu.dma_semaphore, #tpu.memory_space<semaphore_mem>>) src(%dma_wait3A_34 : memref<64x64xf32, #tpu.memory_space<hbm>>) dst(%arg11 : memref<64x64xf32, #tpu.memory_space<vmem>>)
      %dma_wait3A_35 = arith.constant 0 : i32
      %dma_wait3A_36 = arith.constant 0 : i32
      %dma_wait3A_37 = tpu.memref_slice %arg6[%dma_wait3A_35, %dma_wait3A_36] : memref<1000000x64xf32, #tpu.memory_space<hbm>> -> memref<64x64xf32, #tpu.memory_space<hbm>>
      %dma_wait3A_38 = arith.constant 0 : i32
      %dma_wait3A_39 = arith.constant 0 : i32
      %dma_wait3A_40 = tpu.memref_slice %arg6[%dma_wait3A_38, %dma_wait3A_39] : memref<1000000x64xf32, #tpu.memory_space<hbm>> -> memref<64x64xf32, #tpu.memory_space<hbm>>
      tpu.wait_dma2 semaphore(%arg16 : memref<!tpu.dma_semaphore, #tpu.memory_space<semaphore_mem>>) src(%dma_wait3A_40 : memref<64x64xf32, #tpu.memory_space<hbm>>) dst(%arg12 : memref<64x64xf32, #tpu.memory_space<vmem>>)
      %dma_wait3A_41 = arith.constant 0 : i32
      %dma_wait3A_42 = arith.constant 0 : i32
      %dma_wait3A_43 = arith.constant 0 : i32
      %dma_wait3A_44 = tpu.memref_slice %arg13[%dma_wait3A_41, %dma_wait3A_42, %dma_wait3A_43] : memref<5x64x64xf32, #tpu.memory_space<vmem>> -> memref<1x64x64xf32, #tpu.memory_space<vmem>>
      %dma_wait3A_45 = tpu.memref_squeeze %dma_wait3A_44 : memref<1x64x64xf32, #tpu.memory_space<vmem>> -> memref<64x64xf32, #tpu.memory_space<vmem>>
      %dma_wait3A_46 = arith.constant 0 : i32
      %dma_wait3A_47 = arith.constant 0 : i32
      %dma_wait3A_48 = tpu.memref_slice %arg6[%dma_wait3A_46, %dma_wait3A_47] : memref<1000000x64xf32, #tpu.memory_space<hbm>> -> memref<64x64xf32, #tpu.memory_space<hbm>>
      %dma_wait3A_49 = arith.constant 0 : i32
      %dma_wait3A_50 = arith.constant 0 : i32
      %dma_wait3A_51 = tpu.memref_slice %arg13[%dma_wait3A_41, %dma_wait3A_49, %dma_wait3A_50] : memref<5x64x64xf32, #tpu.memory_space<vmem>> -> memref<1x64x64xf32, #tpu.memory_space<vmem>>
      %dma_wait3A_52 = tpu.memref_squeeze %dma_wait3A_51 : memref<1x64x64xf32, #tpu.memory_space<vmem>> -> memref<64x64xf32, #tpu.memory_space<vmem>>
      %dma_wait3A_53 = arith.constant 0 : i32
      %dma_wait3A_54 = arith.constant 0 : i32
      %dma_wait3A_55 = tpu.memref_slice %arg6[%dma_wait3A_53, %dma_wait3A_54] : memref<1000000x64xf32, #tpu.memory_space<hbm>> -> memref<64x64xf32, #tpu.memory_space<hbm>>
      tpu.wait_dma2 semaphore(%arg17 : memref<!tpu.dma_semaphore, #tpu.memory_space<semaphore_mem>>) src(%dma_wait3A_55 : memref<64x64xf32, #tpu.memory_space<hbm>>) dst(%dma_wait3A_52 : memref<64x64xf32, #tpu.memory_space<vmem>>)
      %dma_wait3A_56 = arith.constant 1 : i32
      %dma_wait3A_57 = arith.constant 0 : i32
      %dma_wait3A_58 = arith.constant 0 : i32
      %dma_wait3A_59 = tpu.memref_slice %arg13[%dma_wait3A_56, %dma_wait3A_57, %dma_wait3A_58] : memref<5x64x64xf32, #tpu.memory_space<vmem>> -> memref<1x64x64xf32, #tpu.memory_space<vmem>>
      %dma_wait3A_60 = tpu.memref_squeeze %dma_wait3A_59 : memref<1x64x64xf32, #tpu.memory_space<vmem>> -> memref<64x64xf32, #tpu.memory_space<vmem>>
      %dma_wait3A_61 = arith.constant 0 : i32
      %dma_wait3A_62 = arith.constant 0 : i32
      %dma_wait3A_63 = tpu.memref_slice %arg6[%dma_wait3A_61, %dma_wait3A_62] : memref<1000000x64xf32, #tpu.memory_space<hbm>> -> memref<64x64xf32, #tpu.memory_space<hbm>>
      %dma_wait3A_64 = arith.constant 0 : i32
      %dma_wait3A_65 = arith.constant 0 : i32
      %dma_wait3A_66 = tpu.memref_slice %arg13[%dma_wait3A_56, %dma_wait3A_64, %dma_wait3A_65] : memref<5x64x64xf32, #tpu.memory_space<vmem>> -> memref<1x64x64xf32, #tpu.memory_space<vmem>>
      %dma_wait3A_67 = tpu.memref_squeeze %dma_wait3A_66 : memref<1x64x64xf32, #tpu.memory_space<vmem>> -> memref<64x64xf32, #tpu.memory_space<vmem>>
      %dma_wait3A_68 = arith.constant 0 : i32
      %dma_wait3A_69 = arith.constant 0 : i32
      %dma_wait3A_70 = tpu.memref_slice %arg6[%dma_wait3A_68, %dma_wait3A_69] : memref<1000000x64xf32, #tpu.memory_space<hbm>> -> memref<64x64xf32, #tpu.memory_space<hbm>>
      tpu.wait_dma2 semaphore(%arg18 : memref<!tpu.dma_semaphore, #tpu.memory_space<semaphore_mem>>) src(%dma_wait3A_70 : memref<64x64xf32, #tpu.memory_space<hbm>>) dst(%dma_wait3A_67 : memref<64x64xf32, #tpu.memory_space<vmem>>)
      %dma_wait3A_71 = arith.constant 2 : i32
      %dma_wait3A_72 = arith.constant 0 : i32
      %dma_wait3A_73 = arith.constant 0 : i32
      %dma_wait3A_74 = tpu.memref_slice %arg13[%dma_wait3A_71, %dma_wait3A_72, %dma_wait3A_73] : memref<5x64x64xf32, #tpu.memory_space<vmem>> -> memref<1x64x64xf32, #tpu.memory_space<vmem>>
      %dma_wait3A_75 = tpu.memref_squeeze %dma_wait3A_74 : memref<1x64x64xf32, #tpu.memory_space<vmem>> -> memref<64x64xf32, #tpu.memory_space<vmem>>
      %dma_wait3A_76 = arith.constant 0 : i32
      %dma_wait3A_77 = arith.constant 0 : i32
      %dma_wait3A_78 = tpu.memref_slice %arg6[%dma_wait3A_76, %dma_wait3A_77] : memref<1000000x64xf32, #tpu.memory_space<hbm>> -> memref<64x64xf32, #tpu.memory_space<hbm>>
      %dma_wait3A_79 = arith.constant 0 : i32
      %dma_wait3A_80 = arith.constant 0 : i32
      %dma_wait3A_81 = tpu.memref_slice %arg13[%dma_wait3A_71, %dma_wait3A_79, %dma_wait3A_80] : memref<5x64x64xf32, #tpu.memory_space<vmem>> -> memref<1x64x64xf32, #tpu.memory_space<vmem>>
      %dma_wait3A_82 = tpu.memref_squeeze %dma_wait3A_81 : memref<1x64x64xf32, #tpu.memory_space<vmem>> -> memref<64x64xf32, #tpu.memory_space<vmem>>
      %dma_wait3A_83 = arith.constant 0 : i32
      %dma_wait3A_84 = arith.constant 0 : i32
      %dma_wait3A_85 = tpu.memref_slice %arg6[%dma_wait3A_83, %dma_wait3A_84] : memref<1000000x64xf32, #tpu.memory_space<hbm>> -> memref<64x64xf32, #tpu.memory_space<hbm>>
      tpu.wait_dma2 semaphore(%arg19 : memref<!tpu.dma_semaphore, #tpu.memory_space<semaphore_mem>>) src(%dma_wait3A_85 : memref<64x64xf32, #tpu.memory_space<hbm>>) dst(%dma_wait3A_82 : memref<64x64xf32, #tpu.memory_space<vmem>>)
      %dma_wait3A_86 = arith.constant 3 : i32
      %dma_wait3A_87 = arith.constant 0 : i32
      %dma_wait3A_88 = arith.constant 0 : i32
      %dma_wait3A_89 = tpu.memref_slice %arg13[%dma_wait3A_86, %dma_wait3A_87, %dma_wait3A_88] : memref<5x64x64xf32, #tpu.memory_space<vmem>> -> memref<1x64x64xf32, #tpu.memory_space<vmem>>
      %dma_wait3A_90 = tpu.memref_squeeze %dma_wait3A_89 : memref<1x64x64xf32, #tpu.memory_space<vmem>> -> memref<64x64xf32, #tpu.memory_space<vmem>>
      %dma_wait3A_91 = arith.constant 0 : i32
      %dma_wait3A_92 = arith.constant 0 : i32
      %dma_wait3A_93 = tpu.memref_slice %arg6[%dma_wait3A_91, %dma_wait3A_92] : memref<1000000x64xf32, #tpu.memory_space<hbm>> -> memref<64x64xf32, #tpu.memory_space<hbm>>
      %dma_wait3A_94 = arith.constant 0 : i32
      %dma_wait3A_95 = arith.constant 0 : i32
      %dma_wait3A_96 = tpu.memref_slice %arg13[%dma_wait3A_86, %dma_wait3A_94, %dma_wait3A_95] : memref<5x64x64xf32, #tpu.memory_space<vmem>> -> memref<1x64x64xf32, #tpu.memory_space<vmem>>
      %dma_wait3A_97 = tpu.memref_squeeze %dma_wait3A_96 : memref<1x64x64xf32, #tpu.memory_space<vmem>> -> memref<64x64xf32, #tpu.memory_space<vmem>>
      %dma_wait3A_98 = arith.constant 0 : i32
      %dma_wait3A_99 = arith.constant 0 : i32
      %dma_wait3A_100 = tpu.memref_slice %arg6[%dma_wait3A_98, %dma_wait3A_99] : memref<1000000x64xf32, #tpu.memory_space<hbm>> -> memref<64x64xf32, #tpu.memory_space<hbm>>
      tpu.wait_dma2 semaphore(%arg20 : memref<!tpu.dma_semaphore, #tpu.memory_space<semaphore_mem>>) src(%dma_wait3A_100 : memref<64x64xf32, #tpu.memory_space<hbm>>) dst(%dma_wait3A_97 : memref<64x64xf32, #tpu.memory_space<vmem>>)
      %dma_wait3A_101 = arith.constant 4 : i32
      %dma_wait3A_102 = arith.constant 0 : i32
      %dma_wait3A_103 = arith.constant 0 : i32
      %dma_wait3A_104 = tpu.memref_slice %arg13[%dma_wait3A_101, %dma_wait3A_102, %dma_wait3A_103] : memref<5x64x64xf32, #tpu.memory_space<vmem>> -> memref<1x64x64xf32, #tpu.memory_space<vmem>>
      %dma_wait3A_105 = tpu.memref_squeeze %dma_wait3A_104 : memref<1x64x64xf32, #tpu.memory_space<vmem>> -> memref<64x64xf32, #tpu.memory_space<vmem>>
      %dma_wait3A_106 = arith.constant 0 : i32
      %dma_wait3A_107 = arith.constant 0 : i32
      %dma_wait3A_108 = tpu.memref_slice %arg6[%dma_wait3A_106, %dma_wait3A_107] : memref<1000000x64xf32, #tpu.memory_space<hbm>> -> memref<64x64xf32, #tpu.memory_space<hbm>>
      %dma_wait3A_109 = arith.constant 0 : i32
      %dma_wait3A_110 = arith.constant 0 : i32
      %dma_wait3A_111 = tpu.memref_slice %arg13[%dma_wait3A_101, %dma_wait3A_109, %dma_wait3A_110] : memref<5x64x64xf32, #tpu.memory_space<vmem>> -> memref<1x64x64xf32, #tpu.memory_space<vmem>>
      %dma_wait3A_112 = tpu.memref_squeeze %dma_wait3A_111 : memref<1x64x64xf32, #tpu.memory_space<vmem>> -> memref<64x64xf32, #tpu.memory_space<vmem>>
      %dma_wait3A_113 = arith.constant 0 : i32
      %dma_wait3A_114 = arith.constant 0 : i32
      %dma_wait3A_115 = tpu.memref_slice %arg6[%dma_wait3A_113, %dma_wait3A_114] : memref<1000000x64xf32, #tpu.memory_space<hbm>> -> memref<64x64xf32, #tpu.memory_space<hbm>>
      tpu.wait_dma2 semaphore(%arg21 : memref<!tpu.dma_semaphore, #tpu.memory_space<semaphore_mem>>) src(%dma_wait3A_115 : memref<64x64xf32, #tpu.memory_space<hbm>>) dst(%dma_wait3A_112 : memref<64x64xf32, #tpu.memory_space<vmem>>)
      %iota3A = tpu.iota {dimensions = array<i32: 0>} : vector<16xi32>
      %add3A_116 = arith.constant 0 : i32
      %add3A_117 = vector.broadcast %add3A_116 : i32 to vector<16xi32>
      %add3A_118 = arith.addi %iota3A, %add3A_117 : vector<16xi32>
      %broadcast_in_dim3A = arith.constant 0.000000e+00 : f32
      %broadcast_in_dim3A_119 = vector.broadcast %broadcast_in_dim3A : f32 to vector<16xf32>
      %broadcast_in_dim3A_120 = arith.constant 0.000000e+00 : f32
      %broadcast_in_dim3A_121 = vector.broadcast %broadcast_in_dim3A_120 : f32 to vector<16xf32>
      %broadcast_in_dim3A_122 = arith.constant 0.000000e+00 : f32
      %broadcast_in_dim3A_123 = vector.broadcast %broadcast_in_dim3A_122 : f32 to vector<16xf32>
      %broadcast_in_dim3A_124 = arith.constant 0.000000e+00 : f32
      %broadcast_in_dim3A_125 = vector.broadcast %broadcast_in_dim3A_124 : f32 to vector<16xf32>
      %broadcast_in_dim3A_126 = arith.constant 0.000000e+00 : f32
      %broadcast_in_dim3A_127 = vector.broadcast %broadcast_in_dim3A_126 : f32 to vector<16xf32>
      %broadcast_in_dim3A_128 = arith.constant 0.000000e+00 : f32
      %broadcast_in_dim3A_129 = vector.broadcast %broadcast_in_dim3A_128 : f32 to vector<16xf32>
      %scan3A_130 = arith.constant 0 : i32
      %scan3A_131 = arith.constant 64 : i32
      %scan3A_132 = arith.addi %scan3A_130, %scan3A_131 : i32
      %scan3A_133 = arith.constant 1 : i32
      %scan3A_134:6 = scf.for %scan3A_312 = %scan3A_130 to %scan3A_132 step %scan3A_133 iter_args(%scan3A_313 = %broadcast_in_dim3A_119, %scan3A_314 = %broadcast_in_dim3A_121, %scan3A_315 = %broadcast_in_dim3A_123, %scan3A_316 = %broadcast_in_dim3A_125, %scan3A_317 = %broadcast_in_dim3A_127, %scan3A_318 = %broadcast_in_dim3A_129) -> (vector<16xf32>, vector<16xf32>, vector<16xf32>, vector<16xf32>, vector<16xf32>, vector<16xf32>)  : i32 {
        %broadcast_in_dim3A_319 = vector.broadcast %scan3A_312 : i32 to vector<16xi32>
        %gather3A = tpu.vector_load_idx %arg11[%add3A_118, %broadcast_in_dim3A_319] : memref<64x64xf32, #tpu.memory_space<vmem>>[vector<16xi32>, vector<16xi32>], vector<16xf32>,
        %gather3A_320 = tpu.vector_load_idx %arg12[%add3A_118, %broadcast_in_dim3A_319] : memref<64x64xf32, #tpu.memory_space<vmem>>[vector<16xi32>, vector<16xi32>], vector<16xf32>,
        %mul3A_321 = arith.mulf %gather3A, %gather3A_320 : vector<16xf32>
        %add3A_322 = arith.addf %scan3A_313, %mul3A_321 : vector<16xf32>
        %broadcast_in_dim3A_323 = arith.constant 0 : i32
        %broadcast_in_dim3A_324 = vector.broadcast %broadcast_in_dim3A_323 : i32 to vector<16xi32>
        %gather3A_325 = tpu.vector_load_idx %arg13[%broadcast_in_dim3A_324, %add3A_118, %broadcast_in_dim3A_319] : memref<5x64x64xf32, #tpu.memory_space<vmem>>[vector<16xi32>, vector<16xi32>, vector<16xi32>], vector<16xf32>,
        %mul3A_326 = arith.mulf %gather3A, %gather3A_325 : vector<16xf32>
        %add3A_327 = arith.addf %scan3A_314, %mul3A_326 : vector<16xf32>
        %broadcast_in_dim3A_328 = arith.constant 1 : i32
        %broadcast_in_dim3A_329 = vector.broadcast %broadcast_in_dim3A_328 : i32 to vector<16xi32>
        %gather3A_330 = tpu.vector_load_idx %arg13[%broadcast_in_dim3A_329, %add3A_118, %broadcast_in_dim3A_319] : memref<5x64x64xf32, #tpu.memory_space<vmem>>[vector<16xi32>, vector<16xi32>, vector<16xi32>], vector<16xf32>,
        %mul3A_331 = arith.mulf %gather3A, %gather3A_330 : vector<16xf32>
        %add3A_332 = arith.addf %scan3A_315, %mul3A_331 : vector<16xf32>
        %broadcast_in_dim3A_333 = arith.constant 2 : i32
        %broadcast_in_dim3A_334 = vector.broadcast %broadcast_in_dim3A_333 : i32 to vector<16xi32>
        %gather3A_335 = tpu.vector_load_idx %arg13[%broadcast_in_dim3A_334, %add3A_118, %broadcast_in_dim3A_319] : memref<5x64x64xf32, #tpu.memory_space<vmem>>[vector<16xi32>, vector<16xi32>, vector<16xi32>], vector<16xf32>,
        %mul3A_336 = arith.mulf %gather3A, %gather3A_335 : vector<16xf32>
        %add3A_337 = arith.addf %scan3A_316, %mul3A_336 : vector<16xf32>
        %broadcast_in_dim3A_338 = arith.constant 3 : i32
        %broadcast_in_dim3A_339 = vector.broadcast %broadcast_in_dim3A_338 : i32 to vector<16xi32>
        %gather3A_340 = tpu.vector_load_idx %arg13[%broadcast_in_dim3A_339, %add3A_118, %broadcast_in_dim3A_319] : memref<5x64x64xf32, #tpu.memory_space<vmem>>[vector<16xi32>, vector<16xi32>, vector<16xi32>], vector<16xf32>,
        %mul3A_341 = arith.mulf %gather3A, %gather3A_340 : vector<16xf32>
        %add3A_342 = arith.addf %scan3A_317, %mul3A_341 : vector<16xf32>
        %broadcast_in_dim3A_343 = arith.constant 4 : i32
        %broadcast_in_dim3A_344 = vector.broadcast %broadcast_in_dim3A_343 : i32 to vector<16xi32>
        %gather3A_345 = tpu.vector_load_idx %arg13[%broadcast_in_dim3A_344, %add3A_118, %broadcast_in_dim3A_319] : memref<5x64x64xf32, #tpu.memory_space<vmem>>[vector<16xi32>, vector<16xi32>, vector<16xi32>], vector<16xf32>,
        %mul3A_346 = arith.mulf %gather3A, %gather3A_345 : vector<16xf32>
        %add3A_347 = arith.addf %scan3A_318, %mul3A_346 : vector<16xf32>
        scf.yield %add3A_322, %add3A_327, %add3A_332, %add3A_337, %add3A_342, %add3A_347 : vector<16xf32>, vector<16xf32>, vector<16xf32>, vector<16xf32>, vector<16xf32>, vector<16xf32>
      }
      %scan3A_135 = arith.constant 64 : i32
      %swap3A = arith.constant 0 : index
      %swap3A_136 = tpu.vector_load %arg14[%swap3A] {strides = array<i32>} : memref<384xf32, #tpu.memory_space<vmem>>, vector<16xf32>,
      tpu.vector_store %arg14[%swap3A], %scan3A_134#0 {strides = array<i32>} : memref<384xf32, #tpu.memory_space<vmem>>, vector<16xf32>,
      %neg3A = arith.constant 0.000000e+00 : f32
      %neg3A_137 = vector.broadcast %neg3A : f32 to vector<16xf32>
      %neg3A_138 = arith.subf %neg3A_137, %scan3A_134#1 : vector<16xf32>
      %swap3A_139 = arith.constant 64 : index
      %swap3A_140 = tpu.vector_load %arg14[%swap3A_139] {strides = array<i32>} : memref<384xf32, #tpu.memory_space<vmem>>, vector<16xf32>,
      tpu.vector_store %arg14[%swap3A_139], %neg3A_138 {strides = array<i32>} : memref<384xf32, #tpu.memory_space<vmem>>, vector<16xf32>,
      %neg3A_141 = arith.constant 0.000000e+00 : f32
      %neg3A_142 = vector.broadcast %neg3A_141 : f32 to vector<16xf32>
      %neg3A_143 = arith.subf %neg3A_142, %scan3A_134#2 : vector<16xf32>
      %swap3A_144 = arith.constant 128 : index
      %swap3A_145 = tpu.vector_load %arg14[%swap3A_144] {strides = array<i32>} : memref<384xf32, #tpu.memory_space<vmem>>, vector<16xf32>,
      tpu.vector_store %arg14[%swap3A_144], %neg3A_143 {strides = array<i32>} : memref<384xf32, #tpu.memory_space<vmem>>, vector<16xf32>,
      %neg3A_146 = arith.constant 0.000000e+00 : f32
      %neg3A_147 = vector.broadcast %neg3A_146 : f32 to vector<16xf32>
      %neg3A_148 = arith.subf %neg3A_147, %scan3A_134#3 : vector<16xf32>
      %swap3A_149 = arith.constant 192 : index
      %swap3A_150 = tpu.vector_load %arg14[%swap3A_149] {strides = array<i32>} : memref<384xf32, #tpu.memory_space<vmem>>, vector<16xf32>,
      tpu.vector_store %arg14[%swap3A_149], %neg3A_148 {strides = array<i32>} : memref<384xf32, #tpu.memory_space<vmem>>, vector<16xf32>,
      %neg3A_151 = arith.constant 0.000000e+00 : f32
      %neg3A_152 = vector.broadcast %neg3A_151 : f32 to vector<16xf32>
      %neg3A_153 = arith.subf %neg3A_152, %scan3A_134#4 : vector<16xf32>
      %swap3A_154 = arith.constant 256 : index
      %swap3A_155 = tpu.vector_load %arg14[%swap3A_154] {strides = array<i32>} : memref<384xf32, #tpu.memory_space<vmem>>, vector<16xf32>,
      tpu.vector_store %arg14[%swap3A_154], %neg3A_153 {strides = array<i32>} : memref<384xf32, #tpu.memory_space<vmem>>, vector<16xf32>,
      %neg3A_156 = arith.constant 0.000000e+00 : f32
      %neg3A_157 = vector.broadcast %neg3A_156 : f32 to vector<16xf32>
      %neg3A_158 = arith.subf %neg3A_157, %scan3A_134#5 : vector<16xf32>
      %swap3A_159 = arith.constant 320 : index
      %swap3A_160 = tpu.vector_load %arg14[%swap3A_159] {strides = array<i32>} : memref<384xf32, #tpu.memory_space<vmem>>, vector<16xf32>,
      tpu.vector_store %arg14[%swap3A_159], %neg3A_158 {strides = array<i32>} : memref<384xf32, #tpu.memory_space<vmem>>, vector<16xf32>,
      %add3A_161 = arith.constant 16 : i32
      %add3A_162 = vector.broadcast %add3A_161 : i32 to vector<16xi32>
      %add3A_163 = arith.addi %iota3A, %add3A_162 : vector<16xi32>
      %broadcast_in_dim3A_164 = arith.constant 0.000000e+00 : f32
      %broadcast_in_dim3A_165 = vector.broadcast %broadcast_in_dim3A_164 : f32 to vector<16xf32>
      %broadcast_in_dim3A_166 = arith.constant 0.000000e+00 : f32
      %broadcast_in_dim3A_167 = vector.broadcast %broadcast_in_dim3A_166 : f32 to vector<16xf32>
      %broadcast_in_dim3A_168 = arith.constant 0.000000e+00 : f32
      %broadcast_in_dim3A_169 = vector.broadcast %broadcast_in_dim3A_168 : f32 to vector<16xf32>
      %broadcast_in_dim3A_170 = arith.constant 0.000000e+00 : f32
      %broadcast_in_dim3A_171 = vector.broadcast %broadcast_in_dim3A_170 : f32 to vector<16xf32>
      %broadcast_in_dim3A_172 = arith.constant 0.000000e+00 : f32
      %broadcast_in_dim3A_173 = vector.broadcast %broadcast_in_dim3A_172 : f32 to vector<16xf32>
      %broadcast_in_dim3A_174 = arith.constant 0.000000e+00 : f32
      %broadcast_in_dim3A_175 = vector.broadcast %broadcast_in_dim3A_174 : f32 to vector<16xf32>
      %scan3A_176 = arith.constant 0 : i32
      %scan3A_177 = arith.constant 64 : i32
      %scan3A_178 = arith.addi %scan3A_176, %scan3A_177 : i32
      %scan3A_179 = arith.constant 1 : i32
      %scan3A_180:6 = scf.for %scan3A_312 = %scan3A_176 to %scan3A_178 step %scan3A_179 iter_args(%scan3A_313 = %broadcast_in_dim3A_165, %scan3A_314 = %broadcast_in_dim3A_167, %scan3A_315 = %broadcast_in_dim3A_169, %scan3A_316 = %broadcast_in_dim3A_171, %scan3A_317 = %broadcast_in_dim3A_173, %scan3A_318 = %broadcast_in_dim3A_175) -> (vector<16xf32>, vector<16xf32>, vector<16xf32>, vector<16xf32>, vector<16xf32>, vector<16xf32>)  : i32 {
        %broadcast_in_dim3A_319 = vector.broadcast %scan3A_312 : i32 to vector<16xi32>
        %gather3A = tpu.vector_load_idx %arg11[%add3A_163, %broadcast_in_dim3A_319] : memref<64x64xf32, #tpu.memory_space<vmem>>[vector<16xi32>, vector<16xi32>], vector<16xf32>,
        %gather3A_320 = tpu.vector_load_idx %arg12[%add3A_163, %broadcast_in_dim3A_319] : memref<64x64xf32, #tpu.memory_space<vmem>>[vector<16xi32>, vector<16xi32>], vector<16xf32>,
        %mul3A_321 = arith.mulf %gather3A, %gather3A_320 : vector<16xf32>
        %add3A_322 = arith.addf %scan3A_313, %mul3A_321 : vector<16xf32>
        %broadcast_in_dim3A_323 = arith.constant 0 : i32
        %broadcast_in_dim3A_324 = vector.broadcast %broadcast_in_dim3A_323 : i32 to vector<16xi32>
        %gather3A_325 = tpu.vector_load_idx %arg13[%broadcast_in_dim3A_324, %add3A_163, %broadcast_in_dim3A_319] : memref<5x64x64xf32, #tpu.memory_space<vmem>>[vector<16xi32>, vector<16xi32>, vector<16xi32>], vector<16xf32>,
        %mul3A_326 = arith.mulf %gather3A, %gather3A_325 : vector<16xf32>
        %add3A_327 = arith.addf %scan3A_314, %mul3A_326 : vector<16xf32>
        %broadcast_in_dim3A_328 = arith.constant 1 : i32
        %broadcast_in_dim3A_329 = vector.broadcast %broadcast_in_dim3A_328 : i32 to vector<16xi32>
        %gather3A_330 = tpu.vector_load_idx %arg13[%broadcast_in_dim3A_329, %add3A_163, %broadcast_in_dim3A_319] : memref<5x64x64xf32, #tpu.memory_space<vmem>>[vector<16xi32>, vector<16xi32>, vector<16xi32>], vector<16xf32>,
        %mul3A_331 = arith.mulf %gather3A, %gather3A_330 : vector<16xf32>
        %add3A_332 = arith.addf %scan3A_315, %mul3A_331 : vector<16xf32>
        %broadcast_in_dim3A_333 = arith.constant 2 : i32
        %broadcast_in_dim3A_334 = vector.broadcast %broadcast_in_dim3A_333 : i32 to vector<16xi32>
        %gather3A_335 = tpu.vector_load_idx %arg13[%broadcast_in_dim3A_334, %add3A_163, %broadcast_in_dim3A_319] : memref<5x64x64xf32, #tpu.memory_space<vmem>>[vector<16xi32>, vector<16xi32>, vector<16xi32>], vector<16xf32>,
        %mul3A_336 = arith.mulf %gather3A, %gather3A_335 : vector<16xf32>
        %add3A_337 = arith.addf %scan3A_316, %mul3A_336 : vector<16xf32>
        %broadcast_in_dim3A_338 = arith.constant 3 : i32
        %broadcast_in_dim3A_339 = vector.broadcast %broadcast_in_dim3A_338 : i32 to vector<16xi32>
        %gather3A_340 = tpu.vector_load_idx %arg13[%broadcast_in_dim3A_339, %add3A_163, %broadcast_in_dim3A_319] : memref<5x64x64xf32, #tpu.memory_space<vmem>>[vector<16xi32>, vector<16xi32>, vector<16xi32>], vector<16xf32>,
        %mul3A_341 = arith.mulf %gather3A, %gather3A_340 : vector<16xf32>
        %add3A_342 = arith.addf %scan3A_317, %mul3A_341 : vector<16xf32>
        %broadcast_in_dim3A_343 = arith.constant 4 : i32
        %broadcast_in_dim3A_344 = vector.broadcast %broadcast_in_dim3A_343 : i32 to vector<16xi32>
        %gather3A_345 = tpu.vector_load_idx %arg13[%broadcast_in_dim3A_344, %add3A_163, %broadcast_in_dim3A_319] : memref<5x64x64xf32, #tpu.memory_space<vmem>>[vector<16xi32>, vector<16xi32>, vector<16xi32>], vector<16xf32>,
        %mul3A_346 = arith.mulf %gather3A, %gather3A_345 : vector<16xf32>
        %add3A_347 = arith.addf %scan3A_318, %mul3A_346 : vector<16xf32>
        scf.yield %add3A_322, %add3A_327, %add3A_332, %add3A_337, %add3A_342, %add3A_347 : vector<16xf32>, vector<16xf32>, vector<16xf32>, vector<16xf32>, vector<16xf32>, vector<16xf32>
      }
      %scan3A_181 = arith.constant 64 : i32
      %swap3A_182 = arith.constant 16 : index
      %swap3A_183 = tpu.vector_load %arg14[%swap3A_182] {strides = array<i32>} : memref<384xf32, #tpu.memory_space<vmem>>, vector<16xf32>,
      tpu.vector_store %arg14[%swap3A_182], %scan3A_180#0 {strides = array<i32>} : memref<384xf32, #tpu.memory_space<vmem>>, vector<16xf32>,
      %neg3A_184 = arith.constant 0.000000e+00 : f32
      %neg3A_185 = vector.broadcast %neg3A_184 : f32 to vector<16xf32>
      %neg3A_186 = arith.subf %neg3A_185, %scan3A_180#1 : vector<16xf32>
      %swap3A_187 = arith.constant 80 : index
      %swap3A_188 = tpu.vector_load %arg14[%swap3A_187] {strides = array<i32>} : memref<384xf32, #tpu.memory_space<vmem>>, vector<16xf32>,
      tpu.vector_store %arg14[%swap3A_187], %neg3A_186 {strides = array<i32>} : memref<384xf32, #tpu.memory_space<vmem>>, vector<16xf32>,
      %neg3A_189 = arith.constant 0.000000e+00 : f32
      %neg3A_190 = vector.broadcast %neg3A_189 : f32 to vector<16xf32>
      %neg3A_191 = arith.subf %neg3A_190, %scan3A_180#2 : vector<16xf32>
      %swap3A_192 = arith.constant 144 : index
      %swap3A_193 = tpu.vector_load %arg14[%swap3A_192] {strides = array<i32>} : memref<384xf32, #tpu.memory_space<vmem>>, vector<16xf32>,
      tpu.vector_store %arg14[%swap3A_192], %neg3A_191 {strides = array<i32>} : memref<384xf32, #tpu.memory_space<vmem>>, vector<16xf32>,
      %neg3A_194 = arith.constant 0.000000e+00 : f32
      %neg3A_195 = vector.broadcast %neg3A_194 : f32 to vector<16xf32>
      %neg3A_196 = arith.subf %neg3A_195, %scan3A_180#3 : vector<16xf32>
      %swap3A_197 = arith.constant 208 : index
      %swap3A_198 = tpu.vector_load %arg14[%swap3A_197] {strides = array<i32>} : memref<384xf32, #tpu.memory_space<vmem>>, vector<16xf32>,
      tpu.vector_store %arg14[%swap3A_197], %neg3A_196 {strides = array<i32>} : memref<384xf32, #tpu.memory_space<vmem>>, vector<16xf32>,
      %neg3A_199 = arith.constant 0.000000e+00 : f32
      %neg3A_200 = vector.broadcast %neg3A_199 : f32 to vector<16xf32>
      %neg3A_201 = arith.subf %neg3A_200, %scan3A_180#4 : vector<16xf32>
      %swap3A_202 = arith.constant 272 : index
      %swap3A_203 = tpu.vector_load %arg14[%swap3A_202] {strides = array<i32>} : memref<384xf32, #tpu.memory_space<vmem>>, vector<16xf32>,
      tpu.vector_store %arg14[%swap3A_202], %neg3A_201 {strides = array<i32>} : memref<384xf32, #tpu.memory_space<vmem>>, vector<16xf32>,
      %neg3A_204 = arith.constant 0.000000e+00 : f32
      %neg3A_205 = vector.broadcast %neg3A_204 : f32 to vector<16xf32>
      %neg3A_206 = arith.subf %neg3A_205, %scan3A_180#5 : vector<16xf32>
      %swap3A_207 = arith.constant 336 : index
      %swap3A_208 = tpu.vector_load %arg14[%swap3A_207] {strides = array<i32>} : memref<384xf32, #tpu.memory_space<vmem>>, vector<16xf32>,
      tpu.vector_store %arg14[%swap3A_207], %neg3A_206 {strides = array<i32>} : memref<384xf32, #tpu.memory_space<vmem>>, vector<16xf32>,
      %add3A_209 = arith.constant 32 : i32
      %add3A_210 = vector.broadcast %add3A_209 : i32 to vector<16xi32>
      %add3A_211 = arith.addi %iota3A, %add3A_210 : vector<16xi32>
      %broadcast_in_dim3A_212 = arith.constant 0.000000e+00 : f32
      %broadcast_in_dim3A_213 = vector.broadcast %broadcast_in_dim3A_212 : f32 to vector<16xf32>
      %broadcast_in_dim3A_214 = arith.constant 0.000000e+00 : f32
      %broadcast_in_dim3A_215 = vector.broadcast %broadcast_in_dim3A_214 : f32 to vector<16xf32>
      %broadcast_in_dim3A_216 = arith.constant 0.000000e+00 : f32
      %broadcast_in_dim3A_217 = vector.broadcast %broadcast_in_dim3A_216 : f32 to vector<16xf32>
      %broadcast_in_dim3A_218 = arith.constant 0.000000e+00 : f32
      %broadcast_in_dim3A_219 = vector.broadcast %broadcast_in_dim3A_218 : f32 to vector<16xf32>
      %broadcast_in_dim3A_220 = arith.constant 0.000000e+00 : f32
      %broadcast_in_dim3A_221 = vector.broadcast %broadcast_in_dim3A_220 : f32 to vector<16xf32>
      %broadcast_in_dim3A_222 = arith.constant 0.000000e+00 : f32
      %broadcast_in_dim3A_223 = vector.broadcast %broadcast_in_dim3A_222 : f32 to vector<16xf32>
      %scan3A_224 = arith.constant 0 : i32
      %scan3A_225 = arith.constant 64 : i32
      %scan3A_226 = arith.addi %scan3A_224, %scan3A_225 : i32
      %scan3A_227 = arith.constant 1 : i32
      %scan3A_228:6 = scf.for %scan3A_312 = %scan3A_224 to %scan3A_226 step %scan3A_227 iter_args(%scan3A_313 = %broadcast_in_dim3A_213, %scan3A_314 = %broadcast_in_dim3A_215, %scan3A_315 = %broadcast_in_dim3A_217, %scan3A_316 = %broadcast_in_dim3A_219, %scan3A_317 = %broadcast_in_dim3A_221, %scan3A_318 = %broadcast_in_dim3A_223) -> (vector<16xf32>, vector<16xf32>, vector<16xf32>, vector<16xf32>, vector<16xf32>, vector<16xf32>)  : i32 {
        %broadcast_in_dim3A_319 = vector.broadcast %scan3A_312 : i32 to vector<16xi32>
        %gather3A = tpu.vector_load_idx %arg11[%add3A_211, %broadcast_in_dim3A_319] : memref<64x64xf32, #tpu.memory_space<vmem>>[vector<16xi32>, vector<16xi32>], vector<16xf32>,
        %gather3A_320 = tpu.vector_load_idx %arg12[%add3A_211, %broadcast_in_dim3A_319] : memref<64x64xf32, #tpu.memory_space<vmem>>[vector<16xi32>, vector<16xi32>], vector<16xf32>,
        %mul3A_321 = arith.mulf %gather3A, %gather3A_320 : vector<16xf32>
        %add3A_322 = arith.addf %scan3A_313, %mul3A_321 : vector<16xf32>
        %broadcast_in_dim3A_323 = arith.constant 0 : i32
        %broadcast_in_dim3A_324 = vector.broadcast %broadcast_in_dim3A_323 : i32 to vector<16xi32>
        %gather3A_325 = tpu.vector_load_idx %arg13[%broadcast_in_dim3A_324, %add3A_211, %broadcast_in_dim3A_319] : memref<5x64x64xf32, #tpu.memory_space<vmem>>[vector<16xi32>, vector<16xi32>, vector<16xi32>], vector<16xf32>,
        %mul3A_326 = arith.mulf %gather3A, %gather3A_325 : vector<16xf32>
        %add3A_327 = arith.addf %scan3A_314, %mul3A_326 : vector<16xf32>
        %broadcast_in_dim3A_328 = arith.constant 1 : i32
        %broadcast_in_dim3A_329 = vector.broadcast %broadcast_in_dim3A_328 : i32 to vector<16xi32>
        %gather3A_330 = tpu.vector_load_idx %arg13[%broadcast_in_dim3A_329, %add3A_211, %broadcast_in_dim3A_319] : memref<5x64x64xf32, #tpu.memory_space<vmem>>[vector<16xi32>, vector<16xi32>, vector<16xi32>], vector<16xf32>,
        %mul3A_331 = arith.mulf %gather3A, %gather3A_330 : vector<16xf32>
        %add3A_332 = arith.addf %scan3A_315, %mul3A_331 : vector<16xf32>
        %broadcast_in_dim3A_333 = arith.constant 2 : i32
        %broadcast_in_dim3A_334 = vector.broadcast %broadcast_in_dim3A_333 : i32 to vector<16xi32>
        %gather3A_335 = tpu.vector_load_idx %arg13[%broadcast_in_dim3A_334, %add3A_211, %broadcast_in_dim3A_319] : memref<5x64x64xf32, #tpu.memory_space<vmem>>[vector<16xi32>, vector<16xi32>, vector<16xi32>], vector<16xf32>,
        %mul3A_336 = arith.mulf %gather3A, %gather3A_335 : vector<16xf32>
        %add3A_337 = arith.addf %scan3A_316, %mul3A_336 : vector<16xf32>
        %broadcast_in_dim3A_338 = arith.constant 3 : i32
        %broadcast_in_dim3A_339 = vector.broadcast %broadcast_in_dim3A_338 : i32 to vector<16xi32>
        %gather3A_340 = tpu.vector_load_idx %arg13[%broadcast_in_dim3A_339, %add3A_211, %broadcast_in_dim3A_319] : memref<5x64x64xf32, #tpu.memory_space<vmem>>[vector<16xi32>, vector<16xi32>, vector<16xi32>], vector<16xf32>,
        %mul3A_341 = arith.mulf %gather3A, %gather3A_340 : vector<16xf32>
        %add3A_342 = arith.addf %scan3A_317, %mul3A_341 : vector<16xf32>
        %broadcast_in_dim3A_343 = arith.constant 4 : i32
        %broadcast_in_dim3A_344 = vector.broadcast %broadcast_in_dim3A_343 : i32 to vector<16xi32>
        %gather3A_345 = tpu.vector_load_idx %arg13[%broadcast_in_dim3A_344, %add3A_211, %broadcast_in_dim3A_319] : memref<5x64x64xf32, #tpu.memory_space<vmem>>[vector<16xi32>, vector<16xi32>, vector<16xi32>], vector<16xf32>,
        %mul3A_346 = arith.mulf %gather3A, %gather3A_345 : vector<16xf32>
        %add3A_347 = arith.addf %scan3A_318, %mul3A_346 : vector<16xf32>
        scf.yield %add3A_322, %add3A_327, %add3A_332, %add3A_337, %add3A_342, %add3A_347 : vector<16xf32>, vector<16xf32>, vector<16xf32>, vector<16xf32>, vector<16xf32>, vector<16xf32>
      }
      %scan3A_229 = arith.constant 64 : i32
      %swap3A_230 = arith.constant 32 : index
      %swap3A_231 = tpu.vector_load %arg14[%swap3A_230] {strides = array<i32>} : memref<384xf32, #tpu.memory_space<vmem>>, vector<16xf32>,
      tpu.vector_store %arg14[%swap3A_230], %scan3A_228#0 {strides = array<i32>} : memref<384xf32, #tpu.memory_space<vmem>>, vector<16xf32>,
      %neg3A_232 = arith.constant 0.000000e+00 : f32
      %neg3A_233 = vector.broadcast %neg3A_232 : f32 to vector<16xf32>
      %neg3A_234 = arith.subf %neg3A_233, %scan3A_228#1 : vector<16xf32>
      %swap3A_235 = arith.constant 96 : index
      %swap3A_236 = tpu.vector_load %arg14[%swap3A_235] {strides = array<i32>} : memref<384xf32, #tpu.memory_space<vmem>>, vector<16xf32>,
      tpu.vector_store %arg14[%swap3A_235], %neg3A_234 {strides = array<i32>} : memref<384xf32, #tpu.memory_space<vmem>>, vector<16xf32>,
      %neg3A_237 = arith.constant 0.000000e+00 : f32
      %neg3A_238 = vector.broadcast %neg3A_237 : f32 to vector<16xf32>
      %neg3A_239 = arith.subf %neg3A_238, %scan3A_228#2 : vector<16xf32>
      %swap3A_240 = arith.constant 160 : index
      %swap3A_241 = tpu.vector_load %arg14[%swap3A_240] {strides = array<i32>} : memref<384xf32, #tpu.memory_space<vmem>>, vector<16xf32>,
      tpu.vector_store %arg14[%swap3A_240], %neg3A_239 {strides = array<i32>} : memref<384xf32, #tpu.memory_space<vmem>>, vector<16xf32>,
      %neg3A_242 = arith.constant 0.000000e+00 : f32
      %neg3A_243 = vector.broadcast %neg3A_242 : f32 to vector<16xf32>
      %neg3A_244 = arith.subf %neg3A_243, %scan3A_228#3 : vector<16xf32>
      %swap3A_245 = arith.constant 224 : index
      %swap3A_246 = tpu.vector_load %arg14[%swap3A_245] {strides = array<i32>} : memref<384xf32, #tpu.memory_space<vmem>>, vector<16xf32>,
      tpu.vector_store %arg14[%swap3A_245], %neg3A_244 {strides = array<i32>} : memref<384xf32, #tpu.memory_space<vmem>>, vector<16xf32>,
      %neg3A_247 = arith.constant 0.000000e+00 : f32
      %neg3A_248 = vector.broadcast %neg3A_247 : f32 to vector<16xf32>
      %neg3A_249 = arith.subf %neg3A_248, %scan3A_228#4 : vector<16xf32>
      %swap3A_250 = arith.constant 288 : index
      %swap3A_251 = tpu.vector_load %arg14[%swap3A_250] {strides = array<i32>} : memref<384xf32, #tpu.memory_space<vmem>>, vector<16xf32>,
      tpu.vector_store %arg14[%swap3A_250], %neg3A_249 {strides = array<i32>} : memref<384xf32, #tpu.memory_space<vmem>>, vector<16xf32>,
      %neg3A_252 = arith.constant 0.000000e+00 : f32
      %neg3A_253 = vector.broadcast %neg3A_252 : f32 to vector<16xf32>
      %neg3A_254 = arith.subf %neg3A_253, %scan3A_228#5 : vector<16xf32>
      %swap3A_255 = arith.constant 352 : index
      %swap3A_256 = tpu.vector_load %arg14[%swap3A_255] {strides = array<i32>} : memref<384xf32, #tpu.memory_space<vmem>>, vector<16xf32>,
      tpu.vector_store %arg14[%swap3A_255], %neg3A_254 {strides = array<i32>} : memref<384xf32, #tpu.memory_space<vmem>>, vector<16xf32>,
      %add3A_257 = arith.constant 48 : i32
      %add3A_258 = vector.broadcast %add3A_257 : i32 to vector<16xi32>
      %add3A_259 = arith.addi %iota3A, %add3A_258 : vector<16xi32>
      %broadcast_in_dim3A_260 = arith.constant 0.000000e+00 : f32
      %broadcast_in_dim3A_261 = vector.broadcast %broadcast_in_dim3A_260 : f32 to vector<16xf32>
      %broadcast_in_dim3A_262 = arith.constant 0.000000e+00 : f32
      %broadcast_in_dim3A_263 = vector.broadcast %broadcast_in_dim3A_262 : f32 to vector<16xf32>
      %broadcast_in_dim3A_264 = arith.constant 0.000000e+00 : f32
      %broadcast_in_dim3A_265 = vector.broadcast %broadcast_in_dim3A_264 : f32 to vector<16xf32>
      %broadcast_in_dim3A_266 = arith.constant 0.000000e+00 : f32
      %broadcast_in_dim3A_267 = vector.broadcast %broadcast_in_dim3A_266 : f32 to vector<16xf32>
      %broadcast_in_dim3A_268 = arith.constant 0.000000e+00 : f32
      %broadcast_in_dim3A_269 = vector.broadcast %broadcast_in_dim3A_268 : f32 to vector<16xf32>
      %broadcast_in_dim3A_270 = arith.constant 0.000000e+00 : f32
      %broadcast_in_dim3A_271 = vector.broadcast %broadcast_in_dim3A_270 : f32 to vector<16xf32>
      %scan3A_272 = arith.constant 0 : i32
      %scan3A_273 = arith.constant 64 : i32
      %scan3A_274 = arith.addi %scan3A_272, %scan3A_273 : i32
      %scan3A_275 = arith.constant 1 : i32
      %scan3A_276:6 = scf.for %scan3A_312 = %scan3A_272 to %scan3A_274 step %scan3A_275 iter_args(%scan3A_313 = %broadcast_in_dim3A_261, %scan3A_314 = %broadcast_in_dim3A_263, %scan3A_315 = %broadcast_in_dim3A_265, %scan3A_316 = %broadcast_in_dim3A_267, %scan3A_317 = %broadcast_in_dim3A_269, %scan3A_318 = %broadcast_in_dim3A_271) -> (vector<16xf32>, vector<16xf32>, vector<16xf32>, vector<16xf32>, vector<16xf32>, vector<16xf32>)  : i32 {
        %broadcast_in_dim3A_319 = vector.broadcast %scan3A_312 : i32 to vector<16xi32>
        %gather3A = tpu.vector_load_idx %arg11[%add3A_259, %broadcast_in_dim3A_319] : memref<64x64xf32, #tpu.memory_space<vmem>>[vector<16xi32>, vector<16xi32>], vector<16xf32>,
        %gather3A_320 = tpu.vector_load_idx %arg12[%add3A_259, %broadcast_in_dim3A_319] : memref<64x64xf32, #tpu.memory_space<vmem>>[vector<16xi32>, vector<16xi32>], vector<16xf32>,
        %mul3A_321 = arith.mulf %gather3A, %gather3A_320 : vector<16xf32>
        %add3A_322 = arith.addf %scan3A_313, %mul3A_321 : vector<16xf32>
        %broadcast_in_dim3A_323 = arith.constant 0 : i32
        %broadcast_in_dim3A_324 = vector.broadcast %broadcast_in_dim3A_323 : i32 to vector<16xi32>
        %gather3A_325 = tpu.vector_load_idx %arg13[%broadcast_in_dim3A_324, %add3A_259, %broadcast_in_dim3A_319] : memref<5x64x64xf32, #tpu.memory_space<vmem>>[vector<16xi32>, vector<16xi32>, vector<16xi32>], vector<16xf32>,
        %mul3A_326 = arith.mulf %gather3A, %gather3A_325 : vector<16xf32>
        %add3A_327 = arith.addf %scan3A_314, %mul3A_326 : vector<16xf32>
        %broadcast_in_dim3A_328 = arith.constant 1 : i32
        %broadcast_in_dim3A_329 = vector.broadcast %broadcast_in_dim3A_328 : i32 to vector<16xi32>
        %gather3A_330 = tpu.vector_load_idx %arg13[%broadcast_in_dim3A_329, %add3A_259, %broadcast_in_dim3A_319] : memref<5x64x64xf32, #tpu.memory_space<vmem>>[vector<16xi32>, vector<16xi32>, vector<16xi32>], vector<16xf32>,
        %mul3A_331 = arith.mulf %gather3A, %gather3A_330 : vector<16xf32>
        %add3A_332 = arith.addf %scan3A_315, %mul3A_331 : vector<16xf32>
        %broadcast_in_dim3A_333 = arith.constant 2 : i32
        %broadcast_in_dim3A_334 = vector.broadcast %broadcast_in_dim3A_333 : i32 to vector<16xi32>
        %gather3A_335 = tpu.vector_load_idx %arg13[%broadcast_in_dim3A_334, %add3A_259, %broadcast_in_dim3A_319] : memref<5x64x64xf32, #tpu.memory_space<vmem>>[vector<16xi32>, vector<16xi32>, vector<16xi32>], vector<16xf32>,
        %mul3A_336 = arith.mulf %gather3A, %gather3A_335 : vector<16xf32>
        %add3A_337 = arith.addf %scan3A_316, %mul3A_336 : vector<16xf32>
        %broadcast_in_dim3A_338 = arith.constant 3 : i32
        %broadcast_in_dim3A_339 = vector.broadcast %broadcast_in_dim3A_338 : i32 to vector<16xi32>
        %gather3A_340 = tpu.vector_load_idx %arg13[%broadcast_in_dim3A_339, %add3A_259, %broadcast_in_dim3A_319] : memref<5x64x64xf32, #tpu.memory_space<vmem>>[vector<16xi32>, vector<16xi32>, vector<16xi32>], vector<16xf32>,
        %mul3A_341 = arith.mulf %gather3A, %gather3A_340 : vector<16xf32>
        %add3A_342 = arith.addf %scan3A_317, %mul3A_341 : vector<16xf32>
        %broadcast_in_dim3A_343 = arith.constant 4 : i32
        %broadcast_in_dim3A_344 = vector.broadcast %broadcast_in_dim3A_343 : i32 to vector<16xi32>
        %gather3A_345 = tpu.vector_load_idx %arg13[%broadcast_in_dim3A_344, %add3A_259, %broadcast_in_dim3A_319] : memref<5x64x64xf32, #tpu.memory_space<vmem>>[vector<16xi32>, vector<16xi32>, vector<16xi32>], vector<16xf32>,
        %mul3A_346 = arith.mulf %gather3A, %gather3A_345 : vector<16xf32>
        %add3A_347 = arith.addf %scan3A_318, %mul3A_346 : vector<16xf32>
        scf.yield %add3A_322, %add3A_327, %add3A_332, %add3A_337, %add3A_342, %add3A_347 : vector<16xf32>, vector<16xf32>, vector<16xf32>, vector<16xf32>, vector<16xf32>, vector<16xf32>
      }
      %scan3A_277 = arith.constant 64 : i32
      %swap3A_278 = arith.constant 48 : index
      %swap3A_279 = tpu.vector_load %arg14[%swap3A_278] {strides = array<i32>} : memref<384xf32, #tpu.memory_space<vmem>>, vector<16xf32>,
      tpu.vector_store %arg14[%swap3A_278], %scan3A_276#0 {strides = array<i32>} : memref<384xf32, #tpu.memory_space<vmem>>, vector<16xf32>,
      %neg3A_280 = arith.constant 0.000000e+00 : f32
      %neg3A_281 = vector.broadcast %neg3A_280 : f32 to vector<16xf32>
      %neg3A_282 = arith.subf %neg3A_281, %scan3A_276#1 : vector<16xf32>
      %swap3A_283 = arith.constant 112 : index
      %swap3A_284 = tpu.vector_load %arg14[%swap3A_283] {strides = array<i32>} : memref<384xf32, #tpu.memory_space<vmem>>, vector<16xf32>,
      tpu.vector_store %arg14[%swap3A_283], %neg3A_282 {strides = array<i32>} : memref<384xf32, #tpu.memory_space<vmem>>, vector<16xf32>,
      %neg3A_285 = arith.constant 0.000000e+00 : f32
      %neg3A_286 = vector.broadcast %neg3A_285 : f32 to vector<16xf32>
      %neg3A_287 = arith.subf %neg3A_286, %scan3A_276#2 : vector<16xf32>
      %swap3A_288 = arith.constant 176 : index
      %swap3A_289 = tpu.vector_load %arg14[%swap3A_288] {strides = array<i32>} : memref<384xf32, #tpu.memory_space<vmem>>, vector<16xf32>,
      tpu.vector_store %arg14[%swap3A_288], %neg3A_287 {strides = array<i32>} : memref<384xf32, #tpu.memory_space<vmem>>, vector<16xf32>,
      %neg3A_290 = arith.constant 0.000000e+00 : f32
      %neg3A_291 = vector.broadcast %neg3A_290 : f32 to vector<16xf32>
      %neg3A_292 = arith.subf %neg3A_291, %scan3A_276#3 : vector<16xf32>
      %swap3A_293 = arith.constant 240 : index
      %swap3A_294 = tpu.vector_load %arg14[%swap3A_293] {strides = array<i32>} : memref<384xf32, #tpu.memory_space<vmem>>, vector<16xf32>,
      tpu.vector_store %arg14[%swap3A_293], %neg3A_292 {strides = array<i32>} : memref<384xf32, #tpu.memory_space<vmem>>, vector<16xf32>,
      %neg3A_295 = arith.constant 0.000000e+00 : f32
      %neg3A_296 = vector.broadcast %neg3A_295 : f32 to vector<16xf32>
      %neg3A_297 = arith.subf %neg3A_296, %scan3A_276#4 : vector<16xf32>
      %swap3A_298 = arith.constant 304 : index
      %swap3A_299 = tpu.vector_load %arg14[%swap3A_298] {strides = array<i32>} : memref<384xf32, #tpu.memory_space<vmem>>, vector<16xf32>,
      tpu.vector_store %arg14[%swap3A_298], %neg3A_297 {strides = array<i32>} : memref<384xf32, #tpu.memory_space<vmem>>, vector<16xf32>,
      %neg3A_300 = arith.constant 0.000000e+00 : f32
      %neg3A_301 = vector.broadcast %neg3A_300 : f32 to vector<16xf32>
      %neg3A_302 = arith.subf %neg3A_301, %scan3A_276#5 : vector<16xf32>
      %swap3A_303 = arith.constant 368 : index
      %swap3A_304 = tpu.vector_load %arg14[%swap3A_303] {strides = array<i32>} : memref<384xf32, #tpu.memory_space<vmem>>, vector<16xf32>,
      tpu.vector_store %arg14[%swap3A_303], %neg3A_302 {strides = array<i32>} : memref<384xf32, #tpu.memory_space<vmem>>, vector<16xf32>,
      %mul3A_305 = arith.constant 8 : i32
      %mul3A_306 = arith.muli %add3A, %mul3A_305 : i32
      %add3A_307 = arith.addi %mul3A_306, %add3A_9 : i32
      %mul3A_308 = arith.constant 6 : i32
      %mul3A_309 = arith.muli %add3A_307, %mul3A_308 : i32
      %mul3A_310 = arith.constant 64 : i32
      %mul3A_311 = arith.muli %mul3A_309, %mul3A_310 : i32
      "tpu.region"() ({
        %run_scoped3A = tpu.sem_alloc : memref<!tpu.dma_semaphore, #tpu.memory_space<semaphore_mem>>
        %dma_start3A = tpu.memref_slice %arg7[%mul3A_311] : memref<98304xf32, #tpu.memory_space<hbm>> -> memref<384xf32, #tpu.memory_space<hbm>>
        %dma_start3A_312 = tpu.memref_slice %arg7[%mul3A_311] : memref<98304xf32, #tpu.memory_space<hbm>> -> memref<384xf32, #tpu.memory_space<hbm>>
        tpu.enqueue_dma source(%arg14 : memref<384xf32, #tpu.memory_space<vmem>>) target(%dma_start3A_312 : memref<384xf32, #tpu.memory_space<hbm>>) target_semaphore(%run_scoped3A : memref<!tpu.dma_semaphore, #tpu.memory_space<semaphore_mem>>)
        %dma_wait3A_313 = tpu.memref_slice %arg7[%mul3A_311] : memref<98304xf32, #tpu.memory_space<hbm>> -> memref<384xf32, #tpu.memory_space<hbm>>
        %dma_wait3A_314 = tpu.memref_slice %arg7[%mul3A_311] : memref<98304xf32, #tpu.memory_space<hbm>> -> memref<384xf32, #tpu.memory_space<hbm>>
        tpu.wait_dma2 semaphore(%run_scoped3A : memref<!tpu.dma_semaphore, #tpu.memory_space<semaphore_mem>>) src(%arg14 : memref<384xf32, #tpu.memory_space<vmem>>) dst(%dma_wait3A_314 : memref<384xf32, #tpu.memory_space<hbm>>)
        tpu.yield
      }) : () -> ()
    }
    %scan3A_4 = arith.constant 8 : i32
    return
  }
}

module attributes {stable_mosaic.version = 14 : i64} {
  func.func @body(%arg0: memref<768x128xf32, #tpu.memory_space<vmem>>, %arg1: memref<1x1xf32, #tpu.memory_space<smem>>) attributes {dimension_semantics = [], scalar_prefetch = 0 : i64, scratch_operands = 0 : i64, tpu.core_type = #tpu.core_type<tc>} {
    %get3A = arith.constant 0 : index
    %get3A_0 = arith.constant 0 : index
    %get3A_1 = vector.load %arg0[%get3A, %get3A_0] : memref<768x128xf32, #tpu.memory_space<vmem>>, vector<768x128xf32>
    %min3A = arith.constant 0.000000e+00 : f32
    %min3A_2 = vector.broadcast %min3A : f32 to vector<768x128xf32>
    %min3A_3 = arith.minimumf %get3A_1, %min3A_2 : vector<768x128xf32>
    %abs3A = math.absf %get3A_1 : vector<768x128xf32>
    %neg3A = arith.constant 0.000000e+00 : f32
    %neg3A_4 = vector.broadcast %neg3A : f32 to vector<768x128xf32>
    %neg3A_5 = arith.subf %neg3A_4, %abs3A : vector<768x128xf32>
    %exp3A = math.exp %neg3A_5 : vector<768x128xf32>
    %log1p3A = math.log1p %exp3A : vector<768x128xf32>
    %sub3A = arith.subf %min3A_3, %log1p3A : vector<768x128xf32>
    %reduce_sum3A = vector.shape_cast %sub3A : vector<768x128xf32> to vector<1x768x128xf32>
    %reduce_sum3A_6 = arith.constant dense<0.000000e+00> : vector<1xf32>
    %reduce_sum3A_7 = vector.multi_reduction <add>, %reduce_sum3A, %reduce_sum3A_6 [1, 2] : vector<1x768x128xf32> to vector<1xf32>
    %reduce_sum3A_8 = vector.shape_cast %reduce_sum3A_7 : vector<1xf32> to vector<1x1x1xf32>
    %reduce_sum3A_9 = vector.extract %reduce_sum3A_8[0, 0, 0] : f32 from vector<1x1x1xf32>
    %neg3A_10 = arith.constant 0.000000e+00 : f32
    %neg3A_11 = arith.subf %neg3A_10, %reduce_sum3A_9 : f32
    %swap3A = arith.constant 0 : index
    %swap3A_12 = arith.constant 0 : index
    %swap3A_13 = memref.load %arg1[%swap3A, %swap3A_12] : memref<1x1xf32, #tpu.memory_space<smem>>
    memref.store %neg3A_11, %arg1[%swap3A, %swap3A_12] : memref<1x1xf32, #tpu.memory_space<smem>>
    return
  }
}

</mosaic_0001>

<sc_bundles>
// kernel: kernel.4.cloned.1.call-start
scs
__scs_entry_jumppad:
0x0: {  	(pc) =	sbr.rel $0x88, $3  }
0x1: {  	(tag) =	ssettag $0x0;
	lr =	simm.s32 $0x1  }
0x2: {  	[smem:$0x3F9C] =	sst lr;
	_ =	strace $0xD0000000  }
0x3: {  	_ = 	snop  }
0x4: {  	_ = 	snop  }
0x5: {  	_ = 	snop  }
0x6: {  	_ = 	snop  }
0x7: {  	_ = 	snop  }
__scs_overlays_trampoline_lowered:
0x8: {  	[smem:$0x3FAB] =	sst s0  }
0x9: {  	[smem:$0x3FAC] =	sst s1  }
0xa: {  	[smem:$0x3FAD] =	sst s2  }
0xb: {  	[smem:$0x3FAE] =	sst s3  }
0xc: {  	[smem:$0x3FAF] =	sst s4  }
0xd: {  	[smem:$0x3FB0] =	sst s5  }
0xe: {  	[smem:$0x3FB1] =	sst s6  }
0xf: {  	[smem:$0x3FB2] =	sst s7  }
0x10: {  	[smem:$0x3FB3] =	sst s8  }
0x11: {  	[smem:$0x3FB4] =	sst s9;
	s0 =	simm.s32 @!p0 $0x0  }
0x12: {  	s1 =	sld [smem:$0x3F9A];
	s0 =	simm.s32 @p0 $0x1  }
0x13: {  	[smem:$0x3FB5] =	sst s0;
	s0 =	simm.s32 @!p1 $0x0  }
0x14: {  	s2 =	sld [smem:$0x3F99];
	s0 =	simm.s32 @p1 $0x1  }
0x15: {  	[smem:$0x3FB6] =	sst s0;
	s0 =	simm.s32 @!p2 $0x0  }
0x16: {  	s3 =	sld [smem:$0x3FDB];
	s0 =	simm.s32 @p2 $0x1  }
0x17: {  	s4 =	simm.s32 $0x1BF5;
	[smem:$0x3FB8] =	sst s0  }
0x18: {  	s0 =	sld [smem:$0x3F9B];
	_ =	swait.ge [sflag:s4], $0x0  }
0x19: {  	s7 =	sld [smem:$0x3F9C]  }
0x1a: {  	s8 =	sadd.s32 $0xFFFFE003, lr  }
0x1b: {  	s9 =	sadd.s32 $0xFFFFFEF7, lr;
	s5 =	simm.s32 $0xFFFFFFFF;
	p2 =	slt.u32 s8, $0xFFFFF086  }
0x1c: {  	p1 =	slt.u32 s9, $0xF7A;
	s5 =	simm.s32 @!p2 $0x0  }
0x1d: {  	s5 =	simm.s32 @p1 $0x1;
	p0 =	seq.s32 s7, s2  }
0x1e: {  	s7 =	smul.u32 @!p0 $0xF7A, s2;
	p2 =	seq.s32 @!p0 s5, $0x0  }
0x1f: {  	s9 =	smul.u32 $0xF7A, s1;
	s8 =	simm.s32 @!p0 $0x1BF5;
	p2 =	por !p2, p0  }
0x20: {  	[sflag:s8] =	ssyncset.s32 @!p0 $0xFFFFF086;
	s6 =	sadd.s32 @!p0 s3, s7;
	s7 =	simm.s32 @!p0 $0x108  }
0x21: {  	s3 =	sadd.s32 s3, s9;
	s6 =	sadd.s32 @!p0 $0x88, s6;
	s7 =	simm.s32 @p2 $0x1082  }
0x22: {  	[simem:s7], [sflag:s8] =	dma.local @!p0 [hbm:s6], $0xF7A  }
0x23: {  	s9 =	sor.u32 $0xD0000000, s2;
	s6 =	simm.s32 $0x108;
	_ =	swait.ge @!p0 [sflag:s8], $0x0  }
0x24: {  	s3 =	sadd.s32 $0x88, s3;
	s6 =	simm.s32 @!p1 $0x1082;
	[sflag:s4] =	ssyncset.s32 $0xFFFFF086  }
0x25: {  	[simem:s6], [sflag:s4] =	dma.local [hbm:s3], $0xF7A  }
0x26: {  	[smem:$0x3F9C] =	sst s1;
	(tag) =	ssettag s2;
	_ =	strace s9  }
0x27: {  	s1 =	sld [smem:$0x3FAC]  }
0x28: {  	s2 =	sld [smem:$0x3FAD]  }
0x29: {  	s4 =	sld [smem:$0x3FAF]  }
0x2a: {  	p0 =	seq.s32 s5, $0x0;
	s5 =	sld [smem:$0x3FB0]  }
0x2b: {  	s6 =	sld [smem:$0x3FB1]  }
0x2c: {  	s7 =	sld [smem:$0x3FB2]  }
0x2d: {  	s3 =	simm.s32 $0x108;
	s8 =	sld [smem:$0x3FB3]  }
0x2e: {  	s3 =	simm.s32 @!p0 $0x1082;
	s9 =	sld [smem:$0x3FB4]  }
0x2f: {  	lr =	sadd.s32 s0, s3;
	s0 =	sld [smem:$0x3FAB]  }
0x30: {  	s3 =	sld [smem:$0x3FAE]  }
0x31: {  	[smem:$0x3FB7] =	sst s10  }
0x32: {  	s10 =	sld [smem:$0x3FB5];
	_ =	sdelay $0x3  }
0x33: {  	p0 =	seq.s32 s10, $0x1;
	s10 =	sld [smem:$0x3FB7];
	_ =	sdelay $0x3  }
0x34: {  	[smem:$0x3FB7] =	sst s10  }
0x35: {  	s10 =	sld [smem:$0x3FB6];
	_ =	sdelay $0x3  }
0x36: {  	p1 =	seq.s32 s10, $0x1;
	s10 =	sld [smem:$0x3FB7];
	_ =	sdelay $0x3  }
0x37: {  	[smem:$0x3FB7] =	sst s10  }
0x38: {  	s10 =	sld [smem:$0x3FB8]  }
0x39: {  	_ = 	snop;
	(pc) =	sbr.ind lr, $3  }
0x3a: {  	_ = 	snop  }
0x3b: {  	_ = 	snop  }
0x3c: {  	p2 =	seq.s32 s10, $0x1;
	s10 =	sld [smem:$0x3FB7]  }
0x3d: {  	_ =	shalt  }
0x3e: {  	_ =	shalt  }
0x3f: {  	_ =	shalt  }
0x40: {  	_ =	shalt  }
0x41: {  	_ =	shalt  }
0x42: {  	_ =	shalt  }
0x43: {  	_ =	shalt  }
0x44: {  	_ =	shalt  }
0x45: {  	_ =	shalt  }
0x46: {  	_ =	shalt  }
0x47: {  	_ =	shalt  }
0x48: {  	_ =	shalt  }
0x49: {  	_ =	shalt  }
0x4a: {  	_ =	shalt  }
0x4b: {  	_ =	shalt  }
0x4c: {  	_ =	shalt  }
0x4d: {  	_ =	shalt  }
0x4e: {  	_ =	shalt  }
0x4f: {  	_ =	shalt  }
0x50: {  	_ =	shalt  }
0x51: {  	_ =	shalt  }
0x52: {  	_ =	shalt  }
0x53: {  	_ =	shalt  }
0x54: {  	_ =	shalt  }
0x55: {  	_ =	shalt  }
0x56: {  	_ =	shalt  }
0x57: {  	_ =	shalt  }
0x58: {  	_ =	shalt  }
0x59: {  	_ =	shalt  }
0x5a: {  	_ =	shalt  }
0x5b: {  	_ =	shalt  }
0x5c: {  	_ =	shalt  }
0x5d: {  	_ =	shalt  }
0x5e: {  	_ =	shalt  }
0x5f: {  	_ =	shalt  }
0x60: {  	_ =	shalt  }
0x61: {  	_ =	shalt  }
0x62: {  	_ =	shalt  }
0x63: {  	_ =	shalt  }
0x64: {  	_ =	shalt  }
0x65: {  	_ =	shalt  }
0x66: {  	_ =	shalt  }
0x67: {  	_ =	shalt  }
0x68: {  	_ =	shalt  }
0x69: {  	_ =	shalt  }
0x6a: {  	_ =	shalt  }
0x6b: {  	_ =	shalt  }
0x6c: {  	_ =	shalt  }
0x6d: {  	_ =	shalt  }
0x6e: {  	_ =	shalt  }
0x6f: {  	_ =	shalt  }
0x70: {  	_ =	shalt  }
0x71: {  	_ =	shalt  }
0x72: {  	_ =	shalt  }
0x73: {  	_ =	shalt  }
0x74: {  	_ =	shalt  }
0x75: {  	_ =	shalt  }
0x76: {  	_ =	shalt  }
0x77: {  	_ =	shalt  }
0x78: {  	_ =	shalt  }
0x79: {  	_ =	shalt  }
0x7a: {  	_ =	shalt  }
0x7b: {  	_ =	shalt  }
0x7c: {  	_ =	shalt  }
0x7d: {  	_ =	shalt  }
0x7e: {  	_ =	shalt  }
0x7f: {  	_ =	shalt  }
0x80: {  	_ =	shalt  }
0x81: {  	_ =	shalt  }
0x82: {  	_ =	shalt  }
0x83: {  	_ =	shalt  }
0x84: {  	_ =	shalt  }
0x85: {  	_ =	shalt  }
0x86: {  	_ =	shalt  }
0x87: {  	_ =	shalt  }
.Lfunc_end0:
.L_simem_size_0:
called_computation_lowered:
.L_overlay_start_0:
0x88: {  	s2 =	sld [smem:$0x3FD9]  }
0x89: {  	s3 =	sld [smem:$0x3FFE];
	_ =	sdelay $0x1  }
0x8a: {  	s1 =	srdreg.scid  }
0x8b: {  	s0 =	sand.u32 $0x1, s1  }
0x8c: {  	s17 =	sshll.u32 s0, $0xA;
	s2 =	sadd.s32 s3, s2  }
0x8d: {  	s2 =	sadd.s32 s2, s17  }
0x8e: {  	[smem:$0x3FC3] =	sst s2  }
0x8f: {  	_ = 	snop  }
0x90: {  	s2 =	sld [smem:$0x3FC9]  }
0x91: {  	s18 =	sld [smem:$0x3FC8];
	(tm) =	ssettm $0x1  }
0x92: {  	s4 =	sld [smem:$0x3FFB];
	_ =	sdelay $0x3  }
0x93: {  	_ =	strace s4  }
0x94: {  	s4 =	sld [smem:$0x3FFC];
	_ =	sdelay $0x3  }
0x95: {  	_ =	strace s4  }
0x96: {  	s4 =	sld [smem:$0x3FFD];
	_ =	sdelay $0x3  }
0x97: {  	_ =	strace s4  }
0x98: {  	_ =	strace $0x8FFFFFFF  }
0x99: {  	s19 =	sld [smem:$0x3FDB];
	_ =	sdelay $0x1  }
0x9a: {  	s5 =	simm.s32 $_scs_section_size  }
0x9b: {  	s6 =	simm.s32 $_size__tile_overlayer_lowered;
	s7 =	simm.s32 $_tile_overlayer_lowered  }
0x9c: {  	s22 =	simm.s32 $0x1BFF;
	s21 =	sshll.u32 s7, $0x1;
	s4 =	sadd.s32 s5, s19  }
0x9d: {  	s8 =	simm.s32 $0x0;
	s20 =	sshll.u32 s6, $0x1;
	s6 =	sadd.s32 s21, s4  }
0x9e: {  	[timem:s8], [sflag:s22] =	dma.local [hbm:s6], s20  }
0x9f: {  	_ =	swait.ge [sflag:s22], s20  }
0xa0: {  	s5 =	ssub.s32 $0x0, s20;
	[sflag:s22] =	ssyncset.done $0x0  }
0xa1: {  	[sflag:s22] =	ssyncadd.s32 s5;
	_ =	sdelay $0x1  }
0xa2: {  	s23 =	simm.s32 $0x1B8B  }
0xa3: {  	_ =	swait.ge [sflag:s23], $0x1  }
0xa4: {  	[sflag:s23] =	ssyncset.done $0x0  }
0xa5: {  	s25 =	simm.s32 $0x1B8E;
	s24 =	sld [smem:$0x3FFE];
	[sflag:s23] =	ssyncadd.s32 $0xFFFFFFFF  }
0xa6: {  	s26 =	simm.s32 $execute0_lowered;
	[smem:$0x3FD2] =	sst s25  }
0xa7: {  	s6 =	sshll.u32 s26, $0x1;
	_ =	strace $0x80000046;
	[dreg:$0x1] =	wrdreg $0xFFFFFFFF  }
0xa8: {  	s28 =	simm.s32 $_size_execute0_lowered;
	s4 =	sadd.s32 s4, s6;
	[dreg:$0x0] =	wrdreg $0x0  }
0xa9: {  	s6 =	sshll.u32 s28, $0x1;
	[dreg:$0x2] =	wrdreg s4  }
0xaa: {  	[dreg:$0x3] =	wrdreg s6  }
0xab: {  	[dreg:$0x4] =	wrdreg $0xC0  }
0xac: {  	_ =	task [dreg:s8], $0x5FFFF  }
0xad: {  	[dreg:$0x1] =	wrdreg $0xFFFFFFFF  }
0xae: {  	[dreg:$0x0] =	wrdreg $0x60  }
0xaf: {  	[dreg:$0x2] =	wrdreg s2  }
0xb0: {  	[dreg:$0x3] =	wrdreg s18  }
0xb1: {  	[dreg:$0x4] =	wrdreg s24  }
0xb2: {  	[dreg:$0x5] =	wrdreg $0x2000  }
0xb3: {  	[dreg:$0x6] =	wrdreg $0x9  }
0xb4: {  	_ =	task.clear_ibuf [dreg:s8], $0x7FFFF;
	_ =	strace $0x90000046  }
0xb5: {  	s29 =	simm.s32 $0x9;
	_ =	strace $0x80000048  }
0xb6: {  	_ =	swait.ge [sflag:s29], $0x1  }
0xb7: {  	[sflag:s29] =	ssyncadd.s32 $0xFFFFFFFF  }
0xb8: {  	_ =	strace $0x90000048  }
0xb9: {  	_ =	sfence  }
0xba: {  	s30 =	sld [smem:$0x0];
	_ =	sdelay $0x2  }
0xbb: {  	s31 =	sshll.u32 s1, $0xD;
	s1 =	sshrl.u32 s1, $0x2  }
0xbc: {  	s3 =	sand.u32 $0x4000, s31;
	s1 =	sadd.s32 s1, s30  }
0xbd: {  	s0 =	sor.u32 s3, s0;
	s1 =	sshll.u32 s1, $0x11  }
0xbe: {  	s0 =	sor.u32 s1, s0  }
0xbf: {  	s0 =	sadd.s32 $0x8F2B, s0  }
0xc0: {  	[sflag:s0] =	ssyncadd.remote.s32 $0x1  }
0xc1: {  	_ =	sfence.sel $0xFFFF  }
0xc2: {  	[dreg:$0x0] =	wrdreg $0xFFFFFFFF;
	(pc) =	sbr.abs _section_cstart, $3  }
0xc3: {  	[dreg:$0x1] =	wrdreg $0xFFFFFFFF  }
0xc4: {  	_ =	task.clear_ibuf [dreg:s8], $0x2FFFF;
	_ =	strace $0x9FFFFFFF  }
0xc5: {  	(tm) =	ssettm $0x7FFFFFFF  }
tec
execute0_lowered:
.L_overlay_start_1:
0x0: {  	(tag) =	ssettag $0x1  }
0x1: {  	s0 =	rddreg [dreg:$0x2]  }
0x2: {  	s1 =	rddreg [dreg:$0x3]  }
0x3: {  	s3 =	simm.s32 $0x0;
	s4 =	srdreg.scid;
	s8 =	stileid.u32  }
0x4: {  	s28 =	simm.s32 $0x2;
	s29 =	simm.s32 $0x3;
	s30 =	simm.s32 $0x4  }
0x5: {  	s31 =	simm.s32 $0x5;
	s15 =	simm.s32 $0x3C0;
	[smem:$0x7FF] =	sst s3  }
0x6: {  	s2 =	sadd.s32 $0x600, s0;
	s16 =	sadd.s32 $0x2E00, s0;
	s17 =	sand.u32 $0x1, s4  }
0x7: {  	s6 =	sadd.s32 $0xF45200, s0;
	_ =	strace $0x80000047;
	[dreg:$0x6] =	wrdreg s2  }
0x8: {  	s5 =	sshll.u32 s8, $0x1;
	s7 =	sadd.s32 $0x1E87600, s0;
	[dreg:$0x5] =	wrdreg s16  }
0x9: {  	s19 =	sshll.u32 s8, $0x9;
	s20 =	sadd.s32 $0xE00, s0;
	[dreg:$0x7] =	wrdreg s7  }
0xa: {  	s21 =	sshll.u32 s8, $0x7;
	s22 =	sadd.s32 $0x1600, s0;
	[dreg:$0x9] =	wrdreg s20  }
0xb: {  	s23 =	sadd.s32 $0x1E00, s0;
	s0 =	sadd.s32 $0x2600, s0;
	[dreg:$0xa] =	wrdreg s22  }
0xc: {  	v0 =	vlaneseq.u32;
	s4 =	ssub.s32 $0x2, s17;
	s2 =	sor.u32 s17, s5;
	[dreg:$0xb] =	wrdreg s23  }
0xd: {  	v0 =	vmul.u32 $0x80, v0;
	s7 =	sand.u32 $0x380, s21;
	[dreg:$0xc] =	wrdreg s0;
	s21 =	simm.s32 $0x80  }
0xe: {  	s22 =	simm.s32 $0x100;
	s0 =	simm.s32 $0x6;
	s18 =	sshrl.u32 s4, $0x1  }
0xf: {  	s5 =	sshll.u32 s2, $0x6;
	s24 =	sshll.u32 s2, $0x3;
	v1 =	vor.u32 $0x2000, v0;
	s2 =	simm.s32 $0x43C0  }
0x10: {  	v2 =	vor.u32 $0x4000, v0;
	v3 =	vor.u32 $0x6000, v0;
	v4 =	vor.u32 $0x8000, v0;
	s4 =	ssub.s32 s4, s18;
	[dreg:$0x8] =	wrdreg s5;
	s5 =	sand.u32 $0x1000, s19  }
0x11: {  	v5 =	vor.u32 $0x800, v0;
	v6 =	vor.u32 $0x2800, v0;
	v7 =	vor.u32 $0x4800, v0;
	[dreg:$0xd] =	wrdreg s24;
	s19 =	simm.s32 $0x8;
	s24 =	simm.s32 $0x180  }
0x12: {  	v8 =	vor.u32 $0x6800, v0;
	v9 =	vor.u32 $0x8800, v0;
	v10 =	vor.u32 $0x1000, v0;
	s1 =	sadd.s32 s5, s1;
	s25 =	smax.u32 s4, $0x1;
	s4 =	simm.s32 $0x7  }
0x13: {  	v11 =	vor.u32 $0x3000, v0;
	v12 =	vor.u32 $0x5000, v0;
	v13 =	vor.u32 $0x7000, v0;
	s13 =	sadd.s32 s7, s1;
	[dreg:$0xe] =	wrdreg s25;
	s1 =	simm.s32 $0x23C0  }
0x14: {  	v14 =	vor.u32 $0x9000, v0;
	v15 =	vor.u32 $0x1800, v0;
	v16 =	vor.u32 $0x3800, v0;
	s7 =	simm.s32 $0x0;
	s26 =	sadd.s32 $0x400, s13;
	s17 =	sadd.s32 $0x800, s13  }
0x15: {  	v17 =	vor.u32 $0x5800, v0;
	v18 =	vor.u32 $0x7800, v0;
	v19 =	vor.u32 $0x9800, v0;
	s18 =	sadd.s32 $0xC00, s13;
	[dreg:$0xf] =	wrdreg s26;
	s26 =	simm.s32 $0x1  }
.LBB2_1:
0x16: {  	[dreg:$0x10] =	wrdreg s7;
	s23 =	simm.s32 $0x0  }
.LBB2_2:
0x17: {  	s5 =	sshll.u32 s23, $0x3;
	s7 =	rddreg [dreg:$0x8]  }
0x18: {  	s9 =	rddreg [dreg:$0x0];
	s5 =	sadd.s32 s7, s5  }
0x19: {  	s20 =	simm.s32 $0x0;
	s7 =	sadd.s32 s9, s5  }
0x1a: {  	[tilespmem:s20], [sflag:$0x8] =	stream.linear.gather [hbm4b:s7+s20], $0x40, $0x38;
	[tilespmem:$0xE540] =	vst v63  }
0x1b: {  	_ =	swait.ge [sflag:s19], $0x40  }
0x1c: {  	[sflag:s19] =	ssyncset.done $0x0  }
0x1d: {  	[sflag:s19] =	ssyncadd.s32 $0xFFFFFFC0  }
0x1e: {  	s10 =	rddreg [dreg:$0x1]  }
0x1f: {  	s8 =	simm.s32 $0x40;
	s7 =	sadd.s32 s10, s5  }
0x20: {  	[tilespmem:s8], [sflag:$0x8] =	stream.linear.gather [hbm4b:s7+s20], $0x40, $0x38;
	[tilespmem:$0xE540] =	vst v63  }
0x21: {  	_ =	swait.ge [sflag:s19], $0x40  }
0x22: {  	[sflag:s19] =	ssyncset.done $0x0;
	s11 =	rddreg [dreg:$0x6]  }
0x23: {  	[sflag:s19] =	ssyncadd.s32 $0xFFFFFFC0;
	s7 =	sadd.s32 s11, s5  }
0x24: {  	[tilespmem:s21], [sflag:$0x8] =	stream.linear.gather [hbm4b:s7+s20], $0x40, $0x38;
	[tilespmem:$0xE540] =	vst v63  }
0x25: {  	_ =	swait.ge [sflag:s19], $0x40  }
0x26: {  	[sflag:s19] =	ssyncset.done $0x0;
	s12 =	rddreg [dreg:$0x9]  }
0x27: {  	s25 =	simm.s32 $0xC0;
	[sflag:s19] =	ssyncadd.s32 $0xFFFFFFC0;
	s7 =	sadd.s32 s5, s12  }
0x28: {  	[tilespmem:s25], [sflag:$0x8] =	stream.linear.gather [hbm4b:s7+s20], $0x40, $0x38;
	[tilespmem:$0xE540] =	vst v63  }
0x29: {  	_ =	swait.ge [sflag:s19], $0x40  }
0x2a: {  	[sflag:s19] =	ssyncset.done $0x0;
	s14 =	rddreg [dreg:$0xa]  }
0x2b: {  	[sflag:s19] =	ssyncadd.s32 $0xFFFFFFC0;
	s7 =	sadd.s32 s5, s14  }
0x2c: {  	[tilespmem:s22], [sflag:$0x8] =	stream.linear.gather [hbm4b:s7+s20], $0x40, $0x38;
	[tilespmem:$0xE540] =	vst v63  }
0x2d: {  	_ =	swait.ge [sflag:s19], $0x40  }
0x2e: {  	[sflag:s19] =	ssyncset.done $0x0;
	s16 =	rddreg [dreg:$0xb]  }
0x2f: {  	s25 =	simm.s32 $0x140;
	[sflag:s19] =	ssyncadd.s32 $0xFFFFFFC0;
	s7 =	sadd.s32 s5, s16  }
0x30: {  	[tilespmem:s25], [sflag:$0x8] =	stream.linear.gather [hbm4b:s7+s20], $0x40, $0x38;
	[tilespmem:$0xE540] =	vst v63  }
0x31: {  	_ =	swait.ge [sflag:s19], $0x40  }
0x32: {  	[sflag:s19] =	ssyncset.done $0x0;
	s9 =	rddreg [dreg:$0xc]  }
0x33: {  	[sflag:s19] =	ssyncadd.s32 $0xFFFFFFC0;
	s5 =	sadd.s32 s5, s9  }
0x34: {  	[tilespmem:s24], [sflag:$0x8] =	stream.linear.gather [hbm4b:s5+s20], $0x40, $0x38;
	[tilespmem:$0xE540] =	vst v63  }
0x35: {  	_ =	swait.ge [sflag:s19], $0x40  }
0x36: {  	[sflag:s19] =	ssyncset.done $0x0  }
0x37: {  	s10 =	simm.s32 $0x400;
	[sflag:s19] =	ssyncadd.s32 $0xFFFFFFC0  }
0x38: {  	[spmem:s13] =	stream.strided.scatter [tilespmem:s20], [sflag:$0x8], $0x200, s10, s21, $0x38;
	[tilespmem:$0xE540] =	vst v63  }
0x39: {  	_ =	swait.ge [sflag:s19], $0x200  }
0x3a: {  	[sflag:s19] =	ssyncset.done $0x0  }
0x3b: {  	[sflag:s19] =	ssyncadd.s32 $0xFFFFFE00  }
0x3c: {  	[smem:s20], [sflag:$0x8] =	stream.linear.gather [spmem:s13], $0x80, $0x38;
	[tilespmem:$0xE540] =	vst v63  }
0x3d: {  	s11 =	rddreg [dreg:$0xf]  }
0x3e: {  	[smem:s21], [sflag:$0x8] =	stream.linear.gather [spmem:s11], $0x80, $0x38;
	[tilespmem:$0xE540] =	vst v63  }
0x3f: {  	_ = 	snop  }
0x40: {  	[smem:s22], [sflag:$0x8] =	stream.linear.gather [spmem:s17], $0x80, $0x38;
	[tilespmem:$0xE540] =	vst v63  }
0x41: {  	_ = 	snop  }
0x42: {  	[smem:s24], [sflag:$0x8] =	stream.linear.gather [spmem:s18], $0x80, $0x38;
	[tilespmem:$0xE540] =	vst v63  }
0x43: {  	_ =	swait.ge [sflag:s19], $0x200  }
0x44: {  	[sflag:s19] =	ssyncset.done $0x0  }
0x45: {  	[sflag:s19] =	ssyncadd.s32 $0xFFFFFE00  }
0x46: {  	s5 =	sld [smem:$0x180]  }
0x47: {  	s7 =	sld [smem:$0x100]  }
0x48: {  	s20 =	sld [smem:$0xC0]  }
0x49: {  	s12 =	sld [smem:$0x0]  }
0x4a: {  	s14 =	sld [smem:$0x40]  }
0x4b: {  	s9 =	rddreg [dreg:$0x5]  }
0x4c: {  	s16 =	simm.s32 $0x3C0;
	s10 =	sld [smem:$0x80]  }
0x4d: {  	s11 =	simm.s32 $0x23C0;
	s7 =	sshll.u32 s7, $0x4;
	s25 =	sshll.u32 s12, $0x4  }
0x4e: {  	s20 =	sshll.u32 s20, $0x4;
	s25 =	sand.u32 $0x1FFFFFF0, s25;
	s8 =	sshll.u32 s14, $0x4  }
0x4f: {  	s9 =	sadd.s32 s9, s25;
	s8 =	sand.u32 $0x1FFFFFF0, s8;
	s10 =	sshll.u32 s10, $0x4  }
0x50: {  	[tilespmem:s16], [sflag:$0x1] =	stream.linear.gather [hbm4b:s9+s3], $0x80, $0x38;
	[tilespmem:$0xE540] =	vst v63  }
0x51: {  	s7 =	sand.u32 $0x1FFFFFF0, s7;
	s8 =	sadd.s32 s6, s8;
	s12 =	sand.u32 $0x1FFFFFF0, s10  }
0x52: {  	[tilespmem:s11], [sflag:$0x2] =	stream.linear.gather [hbm4b:s8+s3], $0x80, $0x38;
	[tilespmem:$0xE540] =	vst v63  }
0x53: {  	s14 =	simm.s32 $0x43C0;
	s8 =	sadd.s32 s6, s12;
	s16 =	sld [smem:$0x140]  }
0x54: {  	[tilespmem:s14], [sflag:$0x3] =	stream.linear.gather [hbm4b:s8+s3], $0x80, $0x38;
	[tilespmem:$0xE540] =	vst v63  }
0x55: {  	s5 =	sshll.u32 s5, $0x4;
	s7 =	sadd.s32 s6, s7;
	s8 =	sand.u32 $0x1FFFFFF0, s20  }
0x56: {  	s25 =	simm.s32 $0x63C0;
	s12 =	simm.s32 $0x83C0;
	s8 =	sadd.s32 s6, s8  }
0x57: {  	[tilespmem:s25], [sflag:$0x4] =	stream.linear.gather [hbm4b:s8+s3], $0x80, $0x38;
	[tilespmem:$0xE540] =	vst v63  }
0x58: {  	s14 =	simm.s32 $0xA3C0;
	s20 =	simm.s32 $0xC1;
	s11 =	sshll.u32 s16, $0x4  }
0x59: {  	s25 =	simm.s32 $0x200;
	s16 =	sand.u32 $0x1FFFFFF0, s5;
	s8 =	sand.u32 $0x1FFFFFF0, s11  }
0x5a: {  	[tilespmem:s12], [sflag:$0x5] =	stream.linear.gather [hbm4b:s7+s3], $0x80, $0x38;
	[tilespmem:$0xE540] =	vst v63  }
0x5b: {  	s5 =	simm.s32 $0xC3C0;
	s7 =	sadd.s32 s6, s16;
	s8 =	sadd.s32 s6, s8  }
0x5c: {  	[tilespmem:s14], [sflag:$0x6] =	stream.linear.gather [hbm4b:s8+s3], $0x80, $0x38;
	[tilespmem:$0xE540] =	vst v63  }
.LBB2_3:
0x5d: {  	s8 =	sld [smem:s20+$0xC0]  }
0x5e: {  	[tilespmem:s5], [sflag:$0x7] =	stream.linear.gather [hbm4b:s7+s3], $0x80, $0x38;
	[tilespmem:$0xE540] =	vst v63  }
0x5f: {  	s14 =	sld [smem:s20+$0x40]  }
0x60: {  	s16 =	sld [smem:s20+$0x0]  }
0x61: {  	s10 =	sld [smem:s20+$0xFFFFFF40]  }
0x62: {  	p0 =	sne.s32 s25, $0x7E00;
	s11 =	sld [smem:s20+$0xFFFFFF80]  }
0x63: {  	s9 =	smov.u32 s25;
	s25 =	sadd.s32 $0x200, s25;
	s12 =	rddreg [dreg:$0x5]  }
0x64: {  	s9 =	sshra.s32 s9, $0x2;
	s8 =	sshll.u32 s8, $0x4;
	s5 =	sshll.u32 s14, $0x4  }
0x65: {  	s7 =	sshll.u32 s16, $0x4;
	s10 =	sshll.u32 s10, $0x4;
	s14 =	sld [smem:s20+$0xFFFFFFC0]  }
0x66: {  	s11 =	sshll.u32 s11, $0x4;
	s16 =	sadd.s32 $0x3C0, s9;
	s10 =	sand.u32 $0x1FFFFFF0, s10  }
0x67: {  	s8 =	sand.u32 $0x1FFFFFF0, s8;
	s5 =	sand.u32 $0x1FFFFFF0, s5;
	s10 =	sadd.s32 s12, s10  }
0x68: {  	[tilespmem:s16], [sflag:$0x1] =	stream.linear.gather [hbm4b:s10+s3], $0x80, $0x38;
	[tilespmem:$0xE540] =	vst v63  }
0x69: {  	s7 =	sand.u32 $0x1FFFFFF0, s7;
	s11 =	sand.u32 $0x1FFFFFF0, s11;
	s16 =	sshll.u32 s14, $0x4  }
0x6a: {  	s12 =	sadd.s32 $0x23C0, s9;
	s11 =	sadd.s32 s6, s11;
	s14 =	sand.u32 $0x1FFFFFF0, s16  }
0x6b: {  	[tilespmem:s12], [sflag:$0x2] =	stream.linear.gather [hbm4b:s11+s3], $0x80, $0x38;
	[tilespmem:$0xE540] =	vst v63  }
0x6c: {  	s10 =	sadd.s32 $0x43C0, s9;
	s16 =	sld [smem:s20+$0x80];
	s11 =	sadd.s32 s6, s14  }
0x6d: {  	[tilespmem:s10], [sflag:$0x3] =	stream.linear.gather [hbm4b:s11+s3], $0x80, $0x38;
	[tilespmem:$0xE540] =	vst v63  }
0x6e: {  	s7 =	sadd.s32 s6, s7;
	s5 =	sadd.s32 s6, s5;
	s14 =	sadd.s32 $0x63C0, s9  }
0x6f: {  	[tilespmem:s14], [sflag:$0x4] =	stream.linear.gather [hbm4b:s7+s3], $0x80, $0x38;
	[tilespmem:$0xE540] =	vst v63  }
.Ltmp0:
0x70: {  	s20 =	sadd.s32 $0x1, s20;
	s16 =	sshll.u32 s16, $0x4;
	(pc) =	sbr.rel @p0 .LBB2_3-.Ltmp0, $4  }
0x71: {  	s12 =	sadd.s32 $0xA3C0, s9;
	s10 =	sadd.s32 $0x83C0, s9;
	s14 =	sand.u32 $0x1FFFFFF0, s16  }
0x72: {  	[tilespmem:s10], [sflag:$0x5] =	stream.linear.gather [hbm4b:s5+s3], $0x80, $0x38;
	[tilespmem:$0xE540] =	vst v63  }
0x73: {  	s7 =	sadd.s32 s6, s8;
	s16 =	sadd.s32 s6, s14;
	s5 =	sadd.s32 $0xC3C0, s9  }
0x74: {  	[tilespmem:s12], [sflag:$0x6] =	stream.linear.gather [hbm4b:s16+s3], $0x80, $0x38;
	[tilespmem:$0xE540] =	vst v63  }
0x75: {  	[tilespmem:s5], [sflag:$0x7] =	stream.linear.gather [hbm4b:s7+s3], $0x80, $0x38;
	[tilespmem:$0xE540] =	vst v63  }
0x76: {  	_ =	swait.ge [sflag:s26], $0x2000  }
0x77: {  	[sflag:s26] =	ssyncset.done $0x0  }
0x78: {  	[sflag:s26] =	ssyncadd.s32 $0xFFFFE000  }
0x79: {  	_ =	swait.ge [sflag:s28], $0x2000  }
0x7a: {  	[sflag:s28] =	ssyncset.done $0x0  }
0x7b: {  	[sflag:s28] =	ssyncadd.s32 $0xFFFFE000  }
0x7c: {  	_ =	swait.ge [sflag:s29], $0x2000  }
0x7d: {  	[sflag:s29] =	ssyncset.done $0x0  }
0x7e: {  	[sflag:s29] =	ssyncadd.s32 $0xFFFFE000  }
0x7f: {  	_ =	swait.ge [sflag:s30], $0x2000  }
0x80: {  	[sflag:s30] =	ssyncset.done $0x0  }
0x81: {  	s16 =	simm.s32 $0x0;
	[sflag:s30] =	ssyncadd.s32 $0xFFFFE000  }
0x82: {  	v20 =	vmov s16;
	_ =	swait.ge [sflag:s31], $0x2000  }
0x83: {  	v20 =	vand.u32 $0x7F, v20;
	[sflag:s31] =	ssyncset.done $0x0  }
0x84: {  	v21 =	vbroadcast v20, $0x0;
	[sflag:s31] =	ssyncadd.s32 $0xFFFFE000  }
0x85: {  	_ =	swait.ge [sflag:s0], $0x2000  }
0x86: {  	v22 =	vor.u32 v0, v21;
	[sflag:s0] =	ssyncset.done $0x0  }
0x87: {  	v23 =	vor.u32 v4, v21;
	[sflag:s0] =	ssyncadd.s32 $0xFFFFE000  }
0x88: {  	s20 =	simm.s32 $0x1;
	_ =	swait.ge [sflag:s4], $0x2000  }
0x89: {  	v20 =	vmov s20;
	[sflag:s4] =	ssyncset.done $0x0  }
0x8a: {  	v25 =	vand.u32 $0x7F, v20;
	v24 =	vor.u32 v1, v21;
	[sflag:s4] =	ssyncadd.s32 $0xFFFFE000  }
0x8b: {  	v25 =	vbroadcast v25, $0x0;
	v28 =	vor.u32 v3, v21;
	v20 =	vld.idx.msk [tilespmem:v22+s15+$0x0], $0xffff  }
0x8c: {  	v26 =	vor.u32 v2, v21;
	v23 =	vld.idx.msk [tilespmem:v23+s2+$0x0], $0xffff  }
0x8d: {  	v27 =	vor.u32 v0, v25;
	v29 =	vld.idx.msk [tilespmem:v22+s1+$0x0], $0xffff  }
0x8e: {  	v30 =	vimm.f32 $0.0e+00;
	v36 =	vor.u32 v4, v25;
	v33 =	vld.idx.msk [tilespmem:v22+s2+$0x0], $0xffff  }
0x8f: {  	s25 =	simm.s32 $0x2;
	v21 =	vimm.f32 $0.0e+00;
	v35 =	vor.u32 v1, v25;
	v34 =	vor.u32 v2, v25;
	v32 =	vld.idx.msk [tilespmem:v24+s2+$0x0], $0xffff  }
0x90: {  	v31 =	vor.u32 v3, v25;
	v22 =	vmov s25;
	v24 =	vld.idx.msk [tilespmem:v28+s2+$0x0], $0xffff;
	v28 =	vimm.f32 $0.0e+00  }
0x91: {  	v25 =	vld.idx.msk [tilespmem:v26+s2+$0x0], $0xffff;
	v26 =	vimm.f32 $0.0e+00;
	v39 =	vand.u32 $0x7F, v22;
	v37 =	vmul.f32 v23, v20  }
0x92: {  	s20 =	simm.s32 $0x3;
	v22 =	vld.idx.msk [tilespmem:v27+s15+$0x0], $0xffff;
	v38 =	vmul.f32 v29, v20;
	v29 =	vimm.f32 $0.0e+00;
	v23 =	vimm.f32 $0.0e+00  }
.LBB2_5:
0x93: {  	p0 =	sne.s32 s20, $0x3F;
	v39 =	vbroadcast v39, $0x0;
	v40 =	vld.idx.msk [tilespmem:v36+s2+$0x0], $0xffff;
	v41 =	vmul.f32 v33, v20;
	v21 =	vadd.f32 v37, v21  }
0x94: {  	v37 =	vmul.f32 v32, v20;
	v42 =	vld.idx.msk [tilespmem:v27+s1+$0x0], $0xffff;
	v29 =	vadd.f32 v38, v29  }
0x95: {  	v38 =	vor.u32 v1, v39;
	v43 =	vor.u32 v2, v39;
	v33 =	vld.idx.msk [tilespmem:v27+s2+$0x0], $0xffff;
	v27 =	vor.u32 v0, v39  }
.Ltmp1:
0x96: {  	v45 =	vmul.f32 v25, v20;
	v44 =	vor.u32 v3, v39;
	v36 =	vor.u32 v4, v39;
	v32 =	vld.idx.msk [tilespmem:v35+s2+$0x0], $0xffff;
	(pc) =	sbr.rel @p0 .LBB2_5-.Ltmp1, $4  }
0x97: {  	v28 =	vadd.f32 v41, v28;
	v30 =	vadd.f32 v37, v30;
	v39 =	vmul.f32 v24, v20;
	v25 =	vld.idx.msk [tilespmem:v34+s2+$0x0], $0xffff  }
0x98: {  	v26 =	vadd.f32 v45, v26;
	v35 =	vmovc v38;
	v34 =	vmovc v43;
	v20 =	vmov v22;
	v24 =	vld.idx.msk [tilespmem:v31+s2+$0x0], $0xffff;
	v31 =	vmov v44  }
0x99: {  	v22 =	vmov s20;
	v23 =	vadd.f32 v39, v23;
	v37 =	vmul.f32 v40, v20  }
0x9a: {  	s20 =	sadd.s32 $0x1, s20;
	v39 =	vand.u32 $0x7F, v22;
	v38 =	vmul.f32 v42, v20;
	v22 =	vld.idx.msk [tilespmem:v27+s15+$0x0], $0xffff  }
0x9b: {  	_ =	sdelay $0x2  }
0x9c: {  	v39 =	vbroadcast v39, $0x0  }
0x9d: {  	v36 =	vld.idx.msk [tilespmem:v36+s2+$0x0], $0xffff  }
0x9e: {  	v40 =	vld.idx.msk [tilespmem:v27+s1+$0x0], $0xffff;
	v41 =	vor.u32 v0, v39  }
0x9f: {  	v27 =	vld.idx.msk [tilespmem:v27+s2+$0x0], $0xffff;
	v42 =	vor.u32 v4, v39  }
0xa0: {  	v35 =	vld.idx.msk [tilespmem:v35+s2+$0x0], $0xffff  }
0xa1: {  	v34 =	vld.idx.msk [tilespmem:v34+s2+$0x0], $0xffff  }
0xa2: {  	v31 =	vld.idx.msk [tilespmem:v31+s2+$0x0], $0xffff;
	v43 =	vor.u32 v1, v39  }
0xa3: {  	v44 =	vor.u32 v2, v39;
	v45 =	vld.idx.msk [tilespmem:v41+s15+$0x0], $0xffff  }
0xa4: {  	v33 =	vmul.f32 v33, v20;
	v21 =	vadd.f32 v37, v21;
	v32 =	vmul.f32 v32, v20;
	v60 =	vld.idx.msk [tilespmem:v42+s2+$0x0], $0xffff  }
0xa5: {  	v29 =	vadd.f32 v38, v29;
	v25 =	vmul.f32 v25, v20;
	v59 =	vor.u32 v3, v39;
	v61 =	vld.idx.msk [tilespmem:v41+s1+$0x0], $0xffff  }
0xa6: {  	v28 =	vadd.f32 v33, v28;
	v20 =	vmul.f32 v24, v20;
	v24 =	vmul.f32 v36, v22;
	v62 =	vld.idx.msk [tilespmem:v41+s2+$0x0], $0xffff  }
0xa7: {  	v30 =	vadd.f32 v32, v30;
	v25 =	vadd.f32 v25, v26;
	v26 =	vmul.f32 v40, v22;
	v63 =	vld.idx.msk [tilespmem:v43+s2+$0x0], $0xffff  }
0xa8: {  	v20 =	vadd.f32 v20, v23;
	v27 =	vmul.f32 v27, v22;
	v21 =	vadd.f32 v24, v21;
	v24 =	vld.idx.msk [tilespmem:v44+s2+$0x0], $0xffff  }
0xa9: {  	v23 =	vmul.f32 v35, v22;
	v26 =	vadd.f32 v26, v29;
	v29 =	vmul.f32 v34, v22  }
0xaa: {  	v27 =	vadd.f32 v27, v28;
	v28 =	vld.idx.msk [tilespmem:v59+s2+$0x0], $0xffff;
	v22 =	vmul.f32 v31, v22  }
0xab: {  	v23 =	vadd.f32 v23, v30;
	v25 =	vadd.f32 v29, v25;
	v30 =	vmul.f32 v61, v45  }
0xac: {  	v20 =	vadd.f32 v22, v20;
	v29 =	vmul.f32 v60, v45;
	v31 =	vmul.f32 v62, v45  }
0xad: {  	s5 =	simm.s32 $0x0;
	v24 =	vmul.f32 v24, v45;
	v22 =	vadd.f32 v30, v26;
	v26 =	vmul.f32 v63, v45  }
0xae: {  	v27 =	vadd.f32 v31, v27;
	v30 =	vmov s5;
	v21 =	vadd.f32 v29, v21  }
0xaf: {  	v23 =	vadd.f32 v26, v23;
	v26 =	vmul.f32 v28, v45;
	v28 =	vand.u32 $0x7F, v30  }
0xb0: {  	v24 =	vadd.f32 v24, v25;
	v25 =	vsub.f32 $0.0e+00, v27;
	v27 =	vbroadcast v28, $0x0  }
0xb1: {  	[tilespmem:$0xE3C0] =	vst v22;
	v21 =	vsub.f32 $0.0e+00, v21;
	v20 =	vadd.f32 v26, v20  }
0xb2: {  	v22 =	vsub.f32 $0.0e+00, v23;
	[tilespmem:$0xE400] =	vst v25;
	v23 =	vsub.f32 $0.0e+00, v24;
	v24 =	vor.u32 v5, v27  }
0xb3: {  	[tilespmem:$0xE500] =	vst v21  }
0xb4: {  	[tilespmem:$0xE440] =	vst v22;
	v20 =	vsub.f32 $0.0e+00, v20;
	v22 =	vor.u32 v9, v27  }
0xb5: {  	s20 =	simm.s32 $0x1;
	[tilespmem:$0xE480] =	vst v23  }
0xb6: {  	v28 =	vor.u32 v8, v27;
	[tilespmem:$0xE4C0] =	vst v20;
	v20 =	vmov s20  }
0xb7: {  	v23 =	vor.u32 v6, v27;
	v21 =	vand.u32 $0x7F, v20;
	v20 =	vld.idx.msk [tilespmem:v24+s15+$0x0], $0xffff  }
0xb8: {  	v26 =	vbroadcast v21, $0x0;
	v29 =	vld.idx.msk [tilespmem:v24+s1+$0x0], $0xffff  }
0xb9: {  	v25 =	vor.u32 v7, v27;
	v22 =	vld.idx.msk [tilespmem:v22+s2+$0x0], $0xffff  }
0xba: {  	v33 =	vld.idx.msk [tilespmem:v24+s2+$0x0], $0xffff;
	v27 =	vor.u32 v5, v26  }
0xbb: {  	s25 =	simm.s32 $0x2;
	v30 =	vimm.f32 $0.0e+00;
	v24 =	vld.idx.msk [tilespmem:v28+s2+$0x0], $0xffff;
	v36 =	vor.u32 v9, v26  }
0xbc: {  	v21 =	vimm.f32 $0.0e+00;
	v28 =	vimm.f32 $0.0e+00;
	v32 =	vld.idx.msk [tilespmem:v23+s2+$0x0], $0xffff;
	v23 =	vmov s25  }
0xbd: {  	v35 =	vor.u32 v6, v26;
	v34 =	vor.u32 v7, v26;
	v31 =	vor.u32 v8, v26  }
0xbe: {  	v25 =	vld.idx.msk [tilespmem:v25+s2+$0x0], $0xffff;
	v39 =	vand.u32 $0x7F, v23;
	v26 =	vimm.f32 $0.0e+00;
	v37 =	vmul.f32 v22, v20  }
0xbf: {  	s20 =	simm.s32 $0x3;
	v23 =	vimm.f32 $0.0e+00;
	v38 =	vmul.f32 v29, v20;
	v29 =	vimm.f32 $0.0e+00;
	v22 =	vld.idx.msk [tilespmem:v27+s15+$0x0], $0xffff  }
.LBB2_7:
0xc0: {  	p0 =	sne.s32 s20, $0x3F;
	v39 =	vbroadcast v39, $0x0;
	v40 =	vld.idx.msk [tilespmem:v36+s2+$0x0], $0xffff;
	v41 =	vmul.f32 v33, v20;
	v21 =	vadd.f32 v37, v21  }
0xc1: {  	v37 =	vmul.f32 v32, v20;
	v42 =	vld.idx.msk [tilespmem:v27+s1+$0x0], $0xffff;
	v29 =	vadd.f32 v38, v29  }
0xc2: {  	v38 =	vor.u32 v6, v39;
	v43 =	vor.u32 v7, v39;
	v33 =	vld.idx.msk [tilespmem:v27+s2+$0x0], $0xffff;
	v27 =	vor.u32 v5, v39  }
.Ltmp2:
0xc3: {  	v45 =	vmul.f32 v25, v20;
	v44 =	vor.u32 v8, v39;
	v36 =	vor.u32 v9, v39;
	v32 =	vld.idx.msk [tilespmem:v35+s2+$0x0], $0xffff;
	(pc) =	sbr.rel @p0 .LBB2_7-.Ltmp2, $4  }
0xc4: {  	v28 =	vadd.f32 v41, v28;
	v30 =	vadd.f32 v37, v30;
	v39 =	vmul.f32 v24, v20;
	v25 =	vld.idx.msk [tilespmem:v34+s2+$0x0], $0xffff  }
0xc5: {  	v26 =	vadd.f32 v45, v26;
	v35 =	vmovc v38;
	v34 =	vmovc v43;
	v20 =	vmov v22;
	v24 =	vld.idx.msk [tilespmem:v31+s2+$0x0], $0xffff;
	v31 =	vmov v44  }
0xc6: {  	v22 =	vmov s20;
	v23 =	vadd.f32 v39, v23;
	v37 =	vmul.f32 v40, v20  }
0xc7: {  	s20 =	sadd.s32 $0x1, s20;
	v39 =	vand.u32 $0x7F, v22;
	v38 =	vmul.f32 v42, v20;
	v22 =	vld.idx.msk [tilespmem:v27+s15+$0x0], $0xffff  }
0xc8: {  	_ =	sdelay $0x2  }
0xc9: {  	v39 =	vbroadcast v39, $0x0  }
0xca: {  	v36 =	vld.idx.msk [tilespmem:v36+s2+$0x0], $0xffff  }
0xcb: {  	v40 =	vld.idx.msk [tilespmem:v27+s1+$0x0], $0xffff;
	v41 =	vor.u32 v5, v39  }
0xcc: {  	v27 =	vld.idx.msk [tilespmem:v27+s2+$0x0], $0xffff;
	v42 =	vor.u32 v9, v39  }
0xcd: {  	v35 =	vld.idx.msk [tilespmem:v35+s2+$0x0], $0xffff  }
0xce: {  	v34 =	vld.idx.msk [tilespmem:v34+s2+$0x0], $0xffff  }
0xcf: {  	v31 =	vld.idx.msk [tilespmem:v31+s2+$0x0], $0xffff;
	v43 =	vor.u32 v6, v39  }
0xd0: {  	v44 =	vor.u32 v7, v39;
	v45 =	vld.idx.msk [tilespmem:v41+s15+$0x0], $0xffff  }
0xd1: {  	v33 =	vmul.f32 v33, v20;
	v21 =	vadd.f32 v37, v21;
	v32 =	vmul.f32 v32, v20;
	v60 =	vld.idx.msk [tilespmem:v42+s2+$0x0], $0xffff  }
0xd2: {  	v29 =	vadd.f32 v38, v29;
	v25 =	vmul.f32 v25, v20;
	v59 =	vor.u32 v8, v39;
	v61 =	vld.idx.msk [tilespmem:v41+s1+$0x0], $0xffff  }
0xd3: {  	v28 =	vadd.f32 v33, v28;
	v20 =	vmul.f32 v24, v20;
	v24 =	vmul.f32 v36, v22;
	v62 =	vld.idx.msk [tilespmem:v41+s2+$0x0], $0xffff  }
0xd4: {  	v30 =	vadd.f32 v32, v30;
	v25 =	vadd.f32 v25, v26;
	v26 =	vmul.f32 v40, v22;
	v63 =	vld.idx.msk [tilespmem:v43+s2+$0x0], $0xffff  }
0xd5: {  	v20 =	vadd.f32 v20, v23;
	v27 =	vmul.f32 v27, v22;
	v21 =	vadd.f32 v24, v21;
	v24 =	vld.idx.msk [tilespmem:v44+s2+$0x0], $0xffff  }
0xd6: {  	v23 =	vmul.f32 v35, v22;
	v26 =	vadd.f32 v26, v29;
	v29 =	vmul.f32 v34, v22  }
0xd7: {  	v27 =	vadd.f32 v27, v28;
	v28 =	vld.idx.msk [tilespmem:v59+s2+$0x0], $0xffff;
	v22 =	vmul.f32 v31, v22  }
0xd8: {  	v23 =	vadd.f32 v23, v30;
	v25 =	vadd.f32 v29, v25;
	v30 =	vmul.f32 v61, v45  }
0xd9: {  	v20 =	vadd.f32 v22, v20;
	v29 =	vmul.f32 v60, v45;
	v31 =	vmul.f32 v62, v45  }
0xda: {  	s5 =	simm.s32 $0x0;
	v24 =	vmul.f32 v24, v45;
	v22 =	vadd.f32 v30, v26;
	v26 =	vmul.f32 v63, v45  }
0xdb: {  	v27 =	vadd.f32 v31, v27;
	v30 =	vmov s5;
	v21 =	vadd.f32 v29, v21  }
0xdc: {  	v23 =	vadd.f32 v26, v23;
	v26 =	vmul.f32 v28, v45;
	v28 =	vand.u32 $0x7F, v30  }
0xdd: {  	v24 =	vadd.f32 v24, v25;
	v25 =	vsub.f32 $0.0e+00, v27;
	v27 =	vbroadcast v28, $0x0  }
0xde: {  	[tilespmem:$0xE3D0] =	vst v22;
	v21 =	vsub.f32 $0.0e+00, v21;
	v20 =	vadd.f32 v26, v20  }
0xdf: {  	v22 =	vsub.f32 $0.0e+00, v23;
	[tilespmem:$0xE410] =	vst v25;
	v23 =	vsub.f32 $0.0e+00, v24;
	v24 =	vor.u32 v10, v27  }
0xe0: {  	[tilespmem:$0xE510] =	vst v21  }
0xe1: {  	[tilespmem:$0xE450] =	vst v22;
	v20 =	vsub.f32 $0.0e+00, v20;
	v22 =	vor.u32 v14, v27  }
0xe2: {  	s20 =	simm.s32 $0x1;
	[tilespmem:$0xE490] =	vst v23  }
0xe3: {  	v28 =	vor.u32 v13, v27;
	[tilespmem:$0xE4D0] =	vst v20;
	v20 =	vmov s20  }
0xe4: {  	v23 =	vor.u32 v11, v27;
	v21 =	vand.u32 $0x7F, v20;
	v20 =	vld.idx.msk [tilespmem:v24+s15+$0x0], $0xffff  }
0xe5: {  	v26 =	vbroadcast v21, $0x0;
	v29 =	vld.idx.msk [tilespmem:v24+s1+$0x0], $0xffff  }
0xe6: {  	v25 =	vor.u32 v12, v27;
	v22 =	vld.idx.msk [tilespmem:v22+s2+$0x0], $0xffff  }
0xe7: {  	v33 =	vld.idx.msk [tilespmem:v24+s2+$0x0], $0xffff;
	v27 =	vor.u32 v10, v26  }
0xe8: {  	s25 =	simm.s32 $0x2;
	v30 =	vimm.f32 $0.0e+00;
	v24 =	vld.idx.msk [tilespmem:v28+s2+$0x0], $0xffff;
	v36 =	vor.u32 v14, v26  }
0xe9: {  	v21 =	vimm.f32 $0.0e+00;
	v28 =	vimm.f32 $0.0e+00;
	v32 =	vld.idx.msk [tilespmem:v23+s2+$0x0], $0xffff;
	v23 =	vmov s25  }
0xea: {  	v35 =	vor.u32 v11, v26;
	v34 =	vor.u32 v12, v26;
	v31 =	vor.u32 v13, v26  }
0xeb: {  	v25 =	vld.idx.msk [tilespmem:v25+s2+$0x0], $0xffff;
	v39 =	vand.u32 $0x7F, v23;
	v26 =	vimm.f32 $0.0e+00;
	v37 =	vmul.f32 v22, v20  }
0xec: {  	s20 =	simm.s32 $0x3;
	v23 =	vimm.f32 $0.0e+00;
	v38 =	vmul.f32 v29, v20;
	v29 =	vimm.f32 $0.0e+00;
	v22 =	vld.idx.msk [tilespmem:v27+s15+$0x0], $0xffff  }
.LBB2_9:
0xed: {  	p0 =	sne.s32 s20, $0x3F;
	v39 =	vbroadcast v39, $0x0;
	v40 =	vld.idx.msk [tilespmem:v36+s2+$0x0], $0xffff;
	v41 =	vmul.f32 v33, v20;
	v21 =	vadd.f32 v37, v21  }
0xee: {  	v37 =	vmul.f32 v32, v20;
	v42 =	vld.idx.msk [tilespmem:v27+s1+$0x0], $0xffff;
	v29 =	vadd.f32 v38, v29  }
0xef: {  	v38 =	vor.u32 v11, v39;
	v43 =	vor.u32 v12, v39;
	v33 =	vld.idx.msk [tilespmem:v27+s2+$0x0], $0xffff;
	v27 =	vor.u32 v10, v39  }
.Ltmp3:
0xf0: {  	v45 =	vmul.f32 v25, v20;
	v44 =	vor.u32 v13, v39;
	v36 =	vor.u32 v14, v39;
	v32 =	vld.idx.msk [tilespmem:v35+s2+$0x0], $0xffff;
	(pc) =	sbr.rel @p0 .LBB2_9-.Ltmp3, $4  }
0xf1: {  	v28 =	vadd.f32 v41, v28;
	v30 =	vadd.f32 v37, v30;
	v39 =	vmul.f32 v24, v20;
	v25 =	vld.idx.msk [tilespmem:v34+s2+$0x0], $0xffff  }
0xf2: {  	v26 =	vadd.f32 v45, v26;
	v35 =	vmovc v38;
	v34 =	vmovc v43;
	v20 =	vmov v22;
	v24 =	vld.idx.msk [tilespmem:v31+s2+$0x0], $0xffff;
	v31 =	vmov v44  }
0xf3: {  	v22 =	vmov s20;
	v23 =	vadd.f32 v39, v23;
	v37 =	vmul.f32 v40, v20  }
0xf4: {  	s20 =	sadd.s32 $0x1, s20;
	v39 =	vand.u32 $0x7F, v22;
	v38 =	vmul.f32 v42, v20;
	v22 =	vld.idx.msk [tilespmem:v27+s15+$0x0], $0xffff  }
0xf5: {  	_ =	sdelay $0x2  }
0xf6: {  	v39 =	vbroadcast v39, $0x0  }
0xf7: {  	v36 =	vld.idx.msk [tilespmem:v36+s2+$0x0], $0xffff  }
0xf8: {  	v40 =	vld.idx.msk [tilespmem:v27+s1+$0x0], $0xffff;
	v41 =	vor.u32 v10, v39  }
0xf9: {  	v27 =	vld.idx.msk [tilespmem:v27+s2+$0x0], $0xffff;
	v42 =	vor.u32 v14, v39  }
0xfa: {  	v35 =	vld.idx.msk [tilespmem:v35+s2+$0x0], $0xffff  }
0xfb: {  	v34 =	vld.idx.msk [tilespmem:v34+s2+$0x0], $0xffff  }
0xfc: {  	v31 =	vld.idx.msk [tilespmem:v31+s2+$0x0], $0xffff;
	v43 =	vor.u32 v11, v39  }
0xfd: {  	v44 =	vor.u32 v12, v39;
	v45 =	vld.idx.msk [tilespmem:v41+s15+$0x0], $0xffff  }
0xfe: {  	v33 =	vmul.f32 v33, v20;
	v21 =	vadd.f32 v37, v21;
	v32 =	vmul.f32 v32, v20;
	v60 =	vld.idx.msk [tilespmem:v42+s2+$0x0], $0xffff  }
0xff: {  	v29 =	vadd.f32 v38, v29;
	v25 =	vmul.f32 v25, v20;
	v59 =	vor.u32 v13, v39;
	v61 =	vld.idx.msk [tilespmem:v41+s1+$0x0], $0xffff  }
0x100: {  	v28 =	vadd.f32 v33, v28;
	v20 =	vmul.f32 v24, v20;
	v24 =	vmul.f32 v36, v22;
	v62 =	vld.idx.msk [tilespmem:v41+s2+$0x0], $0xffff  }
0x101: {  	v30 =	vadd.f32 v32, v30;
	v25 =	vadd.f32 v25, v26;
	v26 =	vmul.f32 v40, v22;
	v63 =	vld.idx.msk [tilespmem:v43+s2+$0x0], $0xffff  }
0x102: {  	v20 =	vadd.f32 v20, v23;
	v27 =	vmul.f32 v27, v22;
	v21 =	vadd.f32 v24, v21;
	v24 =	vld.idx.msk [tilespmem:v44+s2+$0x0], $0xffff  }
0x103: {  	v23 =	vmul.f32 v35, v22;
	v26 =	vadd.f32 v26, v29;
	v29 =	vmul.f32 v34, v22  }
0x104: {  	v27 =	vadd.f32 v27, v28;
	v28 =	vld.idx.msk [tilespmem:v59+s2+$0x0], $0xffff;
	v22 =	vmul.f32 v31, v22  }
0x105: {  	v23 =	vadd.f32 v23, v30;
	v25 =	vadd.f32 v29, v25;
	v30 =	vmul.f32 v61, v45  }
0x106: {  	v20 =	vadd.f32 v22, v20;
	v29 =	vmul.f32 v60, v45;
	v31 =	vmul.f32 v62, v45  }
0x107: {  	s5 =	simm.s32 $0x0;
	v24 =	vmul.f32 v24, v45;
	v22 =	vadd.f32 v30, v26;
	v26 =	vmul.f32 v63, v45  }
0x108: {  	v27 =	vadd.f32 v31, v27;
	v30 =	vmov s5;
	v21 =	vadd.f32 v29, v21  }
0x109: {  	v23 =	vadd.f32 v26, v23;
	v26 =	vmul.f32 v28, v45;
	v28 =	vand.u32 $0x7F, v30  }
0x10a: {  	v24 =	vadd.f32 v24, v25;
	v25 =	vsub.f32 $0.0e+00, v27;
	v27 =	vbroadcast v28, $0x0  }
0x10b: {  	[tilespmem:$0xE3E0] =	vst v22;
	v21 =	vsub.f32 $0.0e+00, v21;
	v20 =	vadd.f32 v26, v20  }
0x10c: {  	v22 =	vsub.f32 $0.0e+00, v23;
	[tilespmem:$0xE420] =	vst v25;
	v23 =	vsub.f32 $0.0e+00, v24;
	v24 =	vor.u32 v15, v27  }
0x10d: {  	[tilespmem:$0xE520] =	vst v21  }
0x10e: {  	[tilespmem:$0xE460] =	vst v22;
	v20 =	vsub.f32 $0.0e+00, v20  }
0x10f: {  	s20 =	simm.s32 $0x1;
	v22 =	vor.u32 v19, v27;
	[tilespmem:$0xE4A0] =	vst v23  }
0x110: {  	v25 =	vor.u32 v17, v27;
	[tilespmem:$0xE4E0] =	vst v20;
	v20 =	vmov s20  }
0x111: {  	v28 =	vor.u32 v18, v27;
	v21 =	vand.u32 $0x7F, v20;
	v20 =	vld.idx.msk [tilespmem:v24+s15+$0x0], $0xffff  }
0x112: {  	v23 =	vor.u32 v16, v27;
	v29 =	vld.idx.msk [tilespmem:v24+s1+$0x0], $0xffff  }
0x113: {  	v26 =	vbroadcast v21, $0x0;
	v33 =	vld.idx.msk [tilespmem:v24+s2+$0x0], $0xffff  }
0x114: {  	v22 =	vld.idx.msk [tilespmem:v22+s2+$0x0], $0xffff  }
0x115: {  	v24 =	vld.idx.msk [tilespmem:v25+s2+$0x0], $0xffff;
	v27 =	vor.u32 v15, v26  }
0x116: {  	s25 =	simm.s32 $0x2;
	v30 =	vimm.f32 $0.0e+00;
	v25 =	vld.idx.msk [tilespmem:v28+s2+$0x0], $0xffff;
	v36 =	vor.u32 v19, v26  }
0x117: {  	v21 =	vimm.f32 $0.0e+00;
	v28 =	vimm.f32 $0.0e+00;
	v32 =	vld.idx.msk [tilespmem:v23+s2+$0x0], $0xffff;
	v23 =	vmov s25  }
0x118: {  	v35 =	vor.u32 v16, v26;
	v34 =	vor.u32 v17, v26;
	v31 =	vor.u32 v18, v26  }
0x119: {  	v39 =	vand.u32 $0x7F, v23;
	v26 =	vimm.f32 $0.0e+00;
	v37 =	vmul.f32 v22, v20  }
0x11a: {  	s20 =	simm.s32 $0x3;
	v23 =	vimm.f32 $0.0e+00;
	v38 =	vmul.f32 v29, v20;
	v29 =	vimm.f32 $0.0e+00;
	v22 =	vld.idx.msk [tilespmem:v27+s15+$0x0], $0xffff  }
.LBB2_11:
0x11b: {  	p0 =	sne.s32 s20, $0x3F;
	v39 =	vbroadcast v39, $0x0;
	v40 =	vld.idx.msk [tilespmem:v36+s2+$0x0], $0xffff;
	v41 =	vmul.f32 v33, v20;
	v21 =	vadd.f32 v37, v21  }
0x11c: {  	v37 =	vmul.f32 v32, v20;
	v42 =	vld.idx.msk [tilespmem:v27+s1+$0x0], $0xffff;
	v28 =	vadd.f32 v38, v28  }
0x11d: {  	v38 =	vor.u32 v16, v39;
	v43 =	vor.u32 v17, v39;
	v33 =	vld.idx.msk [tilespmem:v27+s2+$0x0], $0xffff;
	v27 =	vor.u32 v15, v39  }
.Ltmp4:
0x11e: {  	v45 =	vmul.f32 v24, v20;
	v44 =	vor.u32 v18, v39;
	v36 =	vor.u32 v19, v39;
	v32 =	vld.idx.msk [tilespmem:v35+s2+$0x0], $0xffff;
	(pc) =	sbr.rel @p0 .LBB2_11-.Ltmp4, $4  }
0x11f: {  	v29 =	vadd.f32 v41, v29;
	v30 =	vadd.f32 v37, v30;
	v39 =	vmul.f32 v25, v20;
	v24 =	vld.idx.msk [tilespmem:v34+s2+$0x0], $0xffff  }
0x120: {  	v26 =	vadd.f32 v45, v26;
	v35 =	vmovc v38;
	v34 =	vmovc v43;
	v20 =	vmov v22;
	v25 =	vld.idx.msk [tilespmem:v31+s2+$0x0], $0xffff;
	v31 =	vmov v44  }
0x121: {  	v22 =	vmov s20;
	v23 =	vadd.f32 v39, v23;
	v37 =	vmul.f32 v40, v20  }
0x122: {  	s20 =	sadd.s32 $0x1, s20;
	v39 =	vand.u32 $0x7F, v22;
	v38 =	vmul.f32 v42, v20;
	v22 =	vld.idx.msk [tilespmem:v27+s15+$0x0], $0xffff  }
0x123: {  	_ =	sdelay $0x2  }
0x124: {  	v39 =	vbroadcast v39, $0x0  }
0x125: {  	v36 =	vld.idx.msk [tilespmem:v36+s2+$0x0], $0xffff  }
0x126: {  	v40 =	vld.idx.msk [tilespmem:v27+s1+$0x0], $0xffff;
	v41 =	vor.u32 v15, v39  }
0x127: {  	v63 =	vld.idx.msk [tilespmem:v27+s2+$0x0], $0xffff  }
0x128: {  	v35 =	vld.idx.msk [tilespmem:v35+s2+$0x0], $0xffff  }
0x129: {  	v34 =	vld.idx.msk [tilespmem:v34+s2+$0x0], $0xffff;
	v42 =	vor.u32 v16, v39  }
0x12a: {  	v31 =	vld.idx.msk [tilespmem:v31+s2+$0x0], $0xffff;
	v43 =	vor.u32 v17, v39  }
0x12b: {  	v33 =	vmul.f32 v33, v20;
	v44 =	vor.u32 v18, v39;
	v45 =	vld.idx.msk [tilespmem:v41+s15+$0x0], $0xffff  }
0x12c: {  	v21 =	vadd.f32 v37, v21;
	v32 =	vmul.f32 v32, v20;
	v46 =	vor.u32 v19, v39;
	v47 =	vld.idx.msk [tilespmem:v41+s1+$0x0], $0xffff  }
0x12d: {  	v28 =	vadd.f32 v38, v28;
	v24 =	vmul.f32 v24, v20;
	v29 =	vadd.f32 v33, v29;
	v48 =	vld.idx.msk [tilespmem:v41+s2+$0x0], $0xffff  }
0x12e: {  	v30 =	vadd.f32 v32, v30;
	v20 =	vmul.f32 v25, v20;
	v49 =	vmul.f32 v36, v22;
	v50 =	vld.idx.msk [tilespmem:v42+s2+$0x0], $0xffff  }
0x12f: {  	v24 =	vadd.f32 v24, v26;
	v51 =	vmul.f32 v40, v22;
	v27 =	vmul.f32 v63, v22;
	v52 =	vld.idx.msk [tilespmem:v43+s2+$0x0], $0xffff  }
0x130: {  	v20 =	vadd.f32 v20, v23;
	v53 =	vmul.f32 v35, v22;
	v56 =	vmul.f32 v34, v22;
	v54 =	vld.idx.msk [tilespmem:v44+s2+$0x0], $0xffff  }
0x131: {  	v57 =	vmul.f32 v31, v22;
	v21 =	vadd.f32 v49, v21;
	v55 =	vld.idx.msk [tilespmem:v46+s2+$0x0], $0xffff;
	v26 =	vadd.f32 v51, v28  }
0x132: {  	v27 =	vadd.f32 v27, v29;
	v23 =	vadd.f32 v53, v30;
	v58 =	vmul.f32 v48, v45  }
0x133: {  	v24 =	vadd.f32 v56, v24;
	v59 =	vmul.f32 v47, v45;
	v60 =	vmul.f32 v50, v45  }
0x134: {  	v20 =	vadd.f32 v57, v20;
	v61 =	vmul.f32 v52, v45;
	v27 =	vadd.f32 v58, v27  }
0x135: {  	v25 =	vmul.f32 v54, v45;
	v26 =	vadd.f32 v59, v26;
	v23 =	vadd.f32 v60, v23  }
0x136: {  	v62 =	vmul.f32 v55, v45;
	v22 =	vadd.f32 v61, v24;
	v63 =	vsub.f32 $0.0e+00, v27  }
0x137: {  	v20 =	vadd.f32 v25, v20;
	[tilespmem:$0xE3F0] =	vst v26;
	v23 =	vsub.f32 $0.0e+00, v23  }
0x138: {  	s5 =	rddreg [dreg:$0xd];
	v21 =	vadd.f32 v62, v21;
	v22 =	vsub.f32 $0.0e+00, v22;
	[tilespmem:$0xE430] =	vst v63  }
0x139: {  	s5 =	sadd.s32 s5, s23;
	v20 =	vsub.f32 $0.0e+00, v20;
	[tilespmem:$0xE470] =	vst v23  }
0x13a: {  	s23 =	sadd.s32 $0x1, s23;
	s5 =	smul.u32 $0x30, s5;
	v21 =	vsub.f32 $0.0e+00, v21;
	[tilespmem:$0xE4B0] =	vst v22  }
0x13b: {  	s7 =	rddreg [dreg:$0x7];
	p0 =	sne.s32 s23, $0x8;
	[tilespmem:$0xE4F0] =	vst v20  }
.Ltmp5:
0x13c: {  	s25 =	simm.s32 $0xE3C0;
	s5 =	sadd.s32 s7, s5;
	[tilespmem:$0xE530] =	vst v21;
	(pc) =	sbr.rel @p0 .LBB2_2-.Ltmp5, $4  }
0x13d: {  	[hbm4b:s5+s3] =	stream.linear.scatter [tilespmem:s25], [sflag:$0x8], $0x180, $0x38;
	[tilespmem:$0xE540] =	vst v63  }
0x13e: {  	_ =	swait.ge [sflag:s19], $0x180  }
0x13f: {  	[sflag:s19] =	ssyncset.done $0x0  }
0x140: {  	[sflag:s19] =	ssyncadd.s32 $0xFFFFFE80  }
0x141: {  	s7 =	rddreg [dreg:$0x10]  }
0x142: {  	s5 =	rddreg [dreg:$0xe];
	s7 =	sadd.s32 $0x1, s7  }
0x143: {  	p0 =	sne.s32 s7, s5  }
.Ltmp6:
0x144: {  	_ = 	snop;
	(pc) =	sbr.rel @p0 .LBB2_1-.Ltmp6, $1  }
0x145: {  	_ =	sdelay $0x3  }
0x146: {  	_ =	sfence.sel $0x180000  }
0x147: {  	[bflag:$0x0] =	sbarrier.arrive $0xFFFF  }
0x148: {  	_ =	strace $0x90000047  }
0x149: {  	s0 =	stileid.u32;
	[bflag:$0x2] =	sbarrier.arrive $0xFFFF  }
0x14a: {  	p0 =	sne.s32 s0, $0x0;
	s0 =	rddreg [dreg:$0x4]  }
0x14b: {  	s0 =	sadd.s32 @!p0 $0x100000, s0  }
0x14c: {  	[sflag:s0] =	ssyncadd.tile.s32 @!p0 $0x1;
	_ =	shalt  }
.Lfunc_end2:
_tile_overlayer_lowered:
.L_overlay_start_2:
0x14d: {  	(tag) =	ssettag $0x2  }
0x14e: {  	s0 =	rddreg [dreg:$0x0];
	s2 =	stileid.u32  }
0x14f: {  	s1 =	rddreg [dreg:$0x1];
	p0 =	sne.s32 s2, $0x0  }
0x150: {  	s3 =	rddreg [dreg:$0x2];
	[bflag:$0x3] =	sbarrier.arrive $0xFFFF;
	s2 =	simm.s32 @!p0 $0x1C08  }
0x151: {  	[timem:s3], [sflag:s2] =	dma.local @!p0 [hbm:s0], s1  }
0x152: {  	s0 =	simm.s32 @!p0 $0x8  }
0x153: {  	_ =	swait.ge @!p0 [sflag:s0], s1  }
0x154: {  	s1 =	ssub.s32 @!p0 $0x0, s1;
	[sflag:s0] =	ssyncset.done @!p0 $0x0  }
0x155: {  	[sflag:s0] =	ssyncadd.s32 @!p0 s1  }
0x156: {  	[bflag:$0x3] =	sbarrier.arrive $0xFFFF  }
0x157: {  	_ =	shalt  }

</sc_bundles>
